<compile_context>
chip_gen: v7x
topology: tpu7x:2x2x1
jax: 0.10.2.dev20260603
libtpu: 0.0.44.dev20260713+nightly
codegen_flags: <defaults>
</compile_context>

<pallas_src>
import functools

import jax
import jax.numpy as jnp
from jax import lax
from jax.experimental import pallas as pl
from jax.experimental.pallas import tpu as pltpu
from jax.experimental.pallas import tpu_sc as plsc

_VOCAB = 30522
_D = 768
_B = 4096
_S = 50
_SP = 56

_NC = 2
_NS = 16
_NW = _NC * _NS
_BW = _B // _NW
_SUB = 2
_CHUNK = _BW // _SUB
_GSPLIT = 4
_GROWS = _CHUNK // _GSPLIT
_NCHUNKS = _S * _SUB
_NBUF = 2


def _gather_body(idx_hbm, table_hbm, out_hbm, idx_v, *bufs_and_sems):
    rows = bufs_and_sems[:_NBUF]
    gsem = bufs_and_sems[_NBUF:2 * _NBUF]
    ssem = bufs_and_sems[2 * _NBUF:3 * _NBUF]

    wid = lax.axis_index("s") * _NC + lax.axis_index("c")
    base_b = wid * _BW
    pltpu.sync_copy(idx_hbm.at[:, pl.ds(base_b, _BW)], idx_v)

    def out_slice(i):
        s = i // _SUB
        sub = i % _SUB
        return out_hbm.at[s, pl.ds(base_b + sub * _CHUNK, _CHUNK)]

    def start_gather(i, b):
        s = i // _SUB
        sub = i % _SUB
        for j in range(_GSPLIT):
            pltpu.async_copy(
                table_hbm.at[idx_v.at[s, pl.ds(sub * _CHUNK + j * _GROWS, _GROWS)]],
                rows[b].at[pl.ds(j * _GROWS, _GROWS)],
                gsem[b],
            )

    def wait_gather(i, b):
        pltpu.make_async_copy(table_hbm.at[pl.ds(0, _CHUNK)], rows[b], gsem[b]).wait()

    def start_store(i, b):
        pltpu.async_copy(rows[b], out_slice(i), ssem[b])

    def wait_store(i, b):
        pltpu.make_async_copy(rows[b], out_slice(i), ssem[b]).wait()

    for b in range(_NBUF):
        start_gather(b, b)

    wait_gather(0, 0)
    start_store(0, 0)

    def quad(q, carry):
        for r in range(_NBUF):
            i = _NBUF * q + r + 1
            b_prev = r
            b_cur = (r + 1) % _NBUF
            wait_store(i - 1, b_prev)
            start_gather(i + _NBUF - 1, b_prev)
            wait_gather(i, b_cur)
            start_store(i, b_cur)
        return carry

    _NMAIN = (_NCHUNKS - _NBUF) // _NBUF
    lax.fori_loop(0, _NMAIN, quad, 0)

    for i in range(_NCHUNKS - _NBUF + 1, _NCHUNKS):
        b_prev = (i - 1) % _NBUF
        b_cur = i % _NBUF
        wait_store(i - 1, b_prev)
        wait_gather(i, b_cur)
        start_store(i, b_cur)
    wait_store(_NCHUNKS - 1, (_NCHUNKS - 1) % _NBUF)


@jax.jit
def _gather(idx_t, table):
    mesh = plsc.VectorSubcoreMesh(core_axis_name="c", subcore_axis_name="s")
    f = functools.partial(
        pl.kernel,
        out_type=jax.ShapeDtypeStruct((_S, _B, _D), jnp.float32),
        mesh=mesh,
        scratch_types=[pltpu.VMEM((_SP, _BW), jnp.int32)]
        + [pltpu.VMEM((_CHUNK, _D), jnp.float32) for _ in range(_NBUF)]
        + [pltpu.SemaphoreType.DMA for _ in range(2 * _NBUF)],
    )(_gather_body)
    return f(idx_t, table)


def kernel(inputs, table):
    idx_t = jnp.pad(inputs.T.astype(jnp.int32), ((0, _SP - _S), (0, 0)))
    out = _gather(idx_t, table)
    return jnp.transpose(out, (1, 0, 2))

# --- scband reference (transcript-rebuilt; emitter-appended) ---
"""Pipeline reference for scband-bert-embeddings-29222957482226 (READ-ONLY COPY).

The authoritative reference and input builder live on the scoring server;
editing this copy changes nothing except your own understanding.
"""

import jax, jax.numpy as jnp
import numpy as np

VOCAB = 30522
EMBED_DIM = 768
BATCH = 4096
SEQ = 50

def setup_inputs(seed: int = 0) -> dict:
    key = jax.random.key(seed)
    k_idx, k_tab = jax.random.split(key)
    inputs = jax.random.randint(k_idx, (BATCH, SEQ), 0, VOCAB, dtype=jnp.int64 if jax.config.jax_enable_x64 else jnp.int32)
    # BERT word embedding table, randomly initialized stand-in
    table = jax.random.normal(k_tab, (VOCAB, EMBED_DIM), dtype=jnp.float32) * 0.02
    return {"inputs": inputs, "table": table}

def reference(inputs, table):
    # Faithful translation of BertEmbeddings.forward: token-id -> word embedding lookup
    # (self.bert.get_input_embeddings()(text_tensor) is a plain nn.Embedding gather)
    embeddings = jnp.take(table, inputs, axis=0)
    return embeddings

if __name__ == "__main__":
    import jax
    _d = setup_inputs()
    print(jax.jit(kernel)(*tuple(_d.values())))

</pallas_src>

<mosaic_0001>
#map = affine_map<(d0, d1) -> (0, 0)>
#map1 = affine_map<(d0, d1) -> (0, 0, 0)>
module attributes {stable_mosaic.version = 14 : i64} {
  func.func @_gather_body(%arg0: i32, %arg1: i32, %arg2: memref<56x4096xi32, #tpu.memory_space<hbm>>, %arg3: memref<30522x768xf32, #tpu.memory_space<hbm>>, %arg4: memref<50x4096x768xf32, #tpu.memory_space<hbm>>, %arg5: memref<56x128xi32, #tpu.memory_space<vmem>>, %arg6: memref<64x768xf32, #tpu.memory_space<vmem>>, %arg7: memref<64x768xf32, #tpu.memory_space<vmem>>, %arg8: memref<!tpu.dma_semaphore, #tpu.memory_space<semaphore_mem>>, %arg9: memref<!tpu.dma_semaphore, #tpu.memory_space<semaphore_mem>>, %arg10: memref<!tpu.dma_semaphore, #tpu.memory_space<semaphore_mem>>, %arg11: memref<!tpu.dma_semaphore, #tpu.memory_space<semaphore_mem>>) attributes {dimension_semantics = [#tpu.dimension_semantics<core_parallel>, #tpu.dimension_semantics<subcore_parallel>], iteration_bounds = array<i64: 2, 16>, scalar_prefetch = 0 : i64, scratch_operands = 7 : i64, tpu.core_type = #tpu.core_type<sc_vector_subcore>, window_params = [{transform_indices = #map}, {transform_indices = #map}, {transform_indices = #map1}]} {
    %mul3A = arith.constant 2 : i32
    %mul3A_0 = arith.muli %arg1, %mul3A : i32
    %add3A = arith.addi %mul3A_0, %arg0 : i32
    %mul3A_1 = arith.constant 128 : i32
    %mul3A_2 = arith.muli %add3A, %mul3A_1 : i32
    "tpu.region"() ({
      %run_scoped3A = tpu.sem_alloc : memref<!tpu.dma_semaphore, #tpu.memory_space<semaphore_mem>>
      %dma_start3A_134 = arith.constant 0 : i32
      %dma_start3A_135 = tpu.memref_slice %arg2[%dma_start3A_134, %mul3A_2] : memref<56x4096xi32, #tpu.memory_space<hbm>> -> memref<56x128xi32, #tpu.memory_space<hbm>>
      %dma_start3A_136 = arith.constant 0 : i32
      %dma_start3A_137 = tpu.memref_slice %arg2[%dma_start3A_136, %mul3A_2] : memref<56x4096xi32, #tpu.memory_space<hbm>> -> memref<56x128xi32, #tpu.memory_space<hbm>>
      tpu.enqueue_dma source(%dma_start3A_137 : memref<56x128xi32, #tpu.memory_space<hbm>>) target(%arg5 : memref<56x128xi32, #tpu.memory_space<vmem>>) target_semaphore(%run_scoped3A : memref<!tpu.dma_semaphore, #tpu.memory_space<semaphore_mem>>)
      %dma_wait3A_138 = arith.constant 0 : i32
      %dma_wait3A_139 = tpu.memref_slice %arg2[%dma_wait3A_138, %mul3A_2] : memref<56x4096xi32, #tpu.memory_space<hbm>> -> memref<56x128xi32, #tpu.memory_space<hbm>>
      %dma_wait3A_140 = arith.constant 0 : i32
      %dma_wait3A_141 = tpu.memref_slice %arg2[%dma_wait3A_140, %mul3A_2] : memref<56x4096xi32, #tpu.memory_space<hbm>> -> memref<56x128xi32, #tpu.memory_space<hbm>>
      tpu.wait_dma2 semaphore(%run_scoped3A : memref<!tpu.dma_semaphore, #tpu.memory_space<semaphore_mem>>) src(%dma_wait3A_141 : memref<56x128xi32, #tpu.memory_space<hbm>>) dst(%arg5 : memref<56x128xi32, #tpu.memory_space<vmem>>)
      tpu.yield
    }) : () -> ()
    %dma_start3A = arith.constant 0 : i32
    %dma_start3A_3 = arith.constant 0 : i32
    %dma_start3A_4 = arith.constant 0 : i32
    %dma_start3A_5 = tpu.memref_slice %arg6[%dma_start3A_3, %dma_start3A_4] : memref<64x768xf32, #tpu.memory_space<vmem>> -> memref<16x768xf32, #tpu.memory_space<vmem>>
    %dma_start3A_6 = arith.constant 0 : i32
    %dma_start3A_7 = tpu.memref_slice %arg5[%dma_start3A, %dma_start3A_6] : memref<56x128xi32, #tpu.memory_space<vmem>> -> memref<1x16xi32, #tpu.memory_space<vmem>>
    %dma_start3A_8 = tpu.memref_squeeze %dma_start3A_7 : memref<1x16xi32, #tpu.memory_space<vmem>> -> memref<16xi32, #tpu.memory_space<vmem>>
    %dma_start3A_9 = arith.constant 0 : i32
    %dma_start3A_10 = arith.constant 0 : i32
    %dma_start3A_11 = tpu.memref_slice %arg3[%dma_start3A_9, %dma_start3A_10] : memref<30522x768xf32, #tpu.memory_space<hbm>> -> memref<30522x768xf32, #tpu.memory_space<hbm>>
    tpu.enqueue_indirect_dma source(%dma_start3A_11 : memref<30522x768xf32, #tpu.memory_space<hbm>>) target(%dma_start3A_5 : memref<16x768xf32, #tpu.memory_space<vmem>>) offsets(%dma_start3A_8 : memref<16xi32, #tpu.memory_space<vmem>>) semaphore(%arg8 : memref<!tpu.dma_semaphore, #tpu.memory_space<semaphore_mem>>)
    %dma_start3A_12 = arith.constant 0 : i32
    %dma_start3A_13 = arith.constant 16 : i32
    %dma_start3A_14 = arith.constant 0 : i32
    %dma_start3A_15 = tpu.memref_slice %arg6[%dma_start3A_13, %dma_start3A_14] : memref<64x768xf32, #tpu.memory_space<vmem>> -> memref<16x768xf32, #tpu.memory_space<vmem>>
    %dma_start3A_16 = arith.constant 16 : i32
    %dma_start3A_17 = tpu.memref_slice %arg5[%dma_start3A_12, %dma_start3A_16] : memref<56x128xi32, #tpu.memory_space<vmem>> -> memref<1x16xi32, #tpu.memory_space<vmem>>
    %dma_start3A_18 = tpu.memref_squeeze %dma_start3A_17 : memref<1x16xi32, #tpu.memory_space<vmem>> -> memref<16xi32, #tpu.memory_space<vmem>>
    %dma_start3A_19 = arith.constant 0 : i32
    %dma_start3A_20 = arith.constant 0 : i32
    %dma_start3A_21 = tpu.memref_slice %arg3[%dma_start3A_19, %dma_start3A_20] : memref<30522x768xf32, #tpu.memory_space<hbm>> -> memref<30522x768xf32, #tpu.memory_space<hbm>>
    tpu.enqueue_indirect_dma source(%dma_start3A_21 : memref<30522x768xf32, #tpu.memory_space<hbm>>) target(%dma_start3A_15 : memref<16x768xf32, #tpu.memory_space<vmem>>) offsets(%dma_start3A_18 : memref<16xi32, #tpu.memory_space<vmem>>) semaphore(%arg8 : memref<!tpu.dma_semaphore, #tpu.memory_space<semaphore_mem>>)
    %dma_start3A_22 = arith.constant 0 : i32
    %dma_start3A_23 = arith.constant 32 : i32
    %dma_start3A_24 = arith.constant 0 : i32
    %dma_start3A_25 = tpu.memref_slice %arg6[%dma_start3A_23, %dma_start3A_24] : memref<64x768xf32, #tpu.memory_space<vmem>> -> memref<16x768xf32, #tpu.memory_space<vmem>>
    %dma_start3A_26 = arith.constant 32 : i32
    %dma_start3A_27 = tpu.memref_slice %arg5[%dma_start3A_22, %dma_start3A_26] : memref<56x128xi32, #tpu.memory_space<vmem>> -> memref<1x16xi32, #tpu.memory_space<vmem>>
    %dma_start3A_28 = tpu.memref_squeeze %dma_start3A_27 : memref<1x16xi32, #tpu.memory_space<vmem>> -> memref<16xi32, #tpu.memory_space<vmem>>
    %dma_start3A_29 = arith.constant 0 : i32
    %dma_start3A_30 = arith.constant 0 : i32
    %dma_start3A_31 = tpu.memref_slice %arg3[%dma_start3A_29, %dma_start3A_30] : memref<30522x768xf32, #tpu.memory_space<hbm>> -> memref<30522x768xf32, #tpu.memory_space<hbm>>
    tpu.enqueue_indirect_dma source(%dma_start3A_31 : memref<30522x768xf32, #tpu.memory_space<hbm>>) target(%dma_start3A_25 : memref<16x768xf32, #tpu.memory_space<vmem>>) offsets(%dma_start3A_28 : memref<16xi32, #tpu.memory_space<vmem>>) semaphore(%arg8 : memref<!tpu.dma_semaphore, #tpu.memory_space<semaphore_mem>>)
    %dma_start3A_32 = arith.constant 0 : i32
    %dma_start3A_33 = arith.constant 48 : i32
    %dma_start3A_34 = arith.constant 0 : i32
    %dma_start3A_35 = tpu.memref_slice %arg6[%dma_start3A_33, %dma_start3A_34] : memref<64x768xf32, #tpu.memory_space<vmem>> -> memref<16x768xf32, #tpu.memory_space<vmem>>
    %dma_start3A_36 = arith.constant 48 : i32
    %dma_start3A_37 = tpu.memref_slice %arg5[%dma_start3A_32, %dma_start3A_36] : memref<56x128xi32, #tpu.memory_space<vmem>> -> memref<1x16xi32, #tpu.memory_space<vmem>>
    %dma_start3A_38 = tpu.memref_squeeze %dma_start3A_37 : memref<1x16xi32, #tpu.memory_space<vmem>> -> memref<16xi32, #tpu.memory_space<vmem>>
    %dma_start3A_39 = arith.constant 0 : i32
    %dma_start3A_40 = arith.constant 0 : i32
    %dma_start3A_41 = tpu.memref_slice %arg3[%dma_start3A_39, %dma_start3A_40] : memref<30522x768xf32, #tpu.memory_space<hbm>> -> memref<30522x768xf32, #tpu.memory_space<hbm>>
    tpu.enqueue_indirect_dma source(%dma_start3A_41 : memref<30522x768xf32, #tpu.memory_space<hbm>>) target(%dma_start3A_35 : memref<16x768xf32, #tpu.memory_space<vmem>>) offsets(%dma_start3A_38 : memref<16xi32, #tpu.memory_space<vmem>>) semaphore(%arg8 : memref<!tpu.dma_semaphore, #tpu.memory_space<semaphore_mem>>)
    %dma_start3A_42 = arith.constant 0 : i32
    %dma_start3A_43 = arith.constant 0 : i32
    %dma_start3A_44 = arith.constant 0 : i32
    %dma_start3A_45 = tpu.memref_slice %arg7[%dma_start3A_43, %dma_start3A_44] : memref<64x768xf32, #tpu.memory_space<vmem>> -> memref<16x768xf32, #tpu.memory_space<vmem>>
    %dma_start3A_46 = arith.constant 64 : i32
    %dma_start3A_47 = tpu.memref_slice %arg5[%dma_start3A_42, %dma_start3A_46] : memref<56x128xi32, #tpu.memory_space<vmem>> -> memref<1x16xi32, #tpu.memory_space<vmem>>
    %dma_start3A_48 = tpu.memref_squeeze %dma_start3A_47 : memref<1x16xi32, #tpu.memory_space<vmem>> -> memref<16xi32, #tpu.memory_space<vmem>>
    %dma_start3A_49 = arith.constant 0 : i32
    %dma_start3A_50 = arith.constant 0 : i32
    %dma_start3A_51 = tpu.memref_slice %arg3[%dma_start3A_49, %dma_start3A_50] : memref<30522x768xf32, #tpu.memory_space<hbm>> -> memref<30522x768xf32, #tpu.memory_space<hbm>>
    tpu.enqueue_indirect_dma source(%dma_start3A_51 : memref<30522x768xf32, #tpu.memory_space<hbm>>) target(%dma_start3A_45 : memref<16x768xf32, #tpu.memory_space<vmem>>) offsets(%dma_start3A_48 : memref<16xi32, #tpu.memory_space<vmem>>) semaphore(%arg9 : memref<!tpu.dma_semaphore, #tpu.memory_space<semaphore_mem>>)
    %dma_start3A_52 = arith.constant 0 : i32
    %dma_start3A_53 = arith.constant 16 : i32
    %dma_start3A_54 = arith.constant 0 : i32
    %dma_start3A_55 = tpu.memref_slice %arg7[%dma_start3A_53, %dma_start3A_54] : memref<64x768xf32, #tpu.memory_space<vmem>> -> memref<16x768xf32, #tpu.memory_space<vmem>>
    %dma_start3A_56 = arith.constant 80 : i32
    %dma_start3A_57 = tpu.memref_slice %arg5[%dma_start3A_52, %dma_start3A_56] : memref<56x128xi32, #tpu.memory_space<vmem>> -> memref<1x16xi32, #tpu.memory_space<vmem>>
    %dma_start3A_58 = tpu.memref_squeeze %dma_start3A_57 : memref<1x16xi32, #tpu.memory_space<vmem>> -> memref<16xi32, #tpu.memory_space<vmem>>
    %dma_start3A_59 = arith.constant 0 : i32
    %dma_start3A_60 = arith.constant 0 : i32
    %dma_start3A_61 = tpu.memref_slice %arg3[%dma_start3A_59, %dma_start3A_60] : memref<30522x768xf32, #tpu.memory_space<hbm>> -> memref<30522x768xf32, #tpu.memory_space<hbm>>
    tpu.enqueue_indirect_dma source(%dma_start3A_61 : memref<30522x768xf32, #tpu.memory_space<hbm>>) target(%dma_start3A_55 : memref<16x768xf32, #tpu.memory_space<vmem>>) offsets(%dma_start3A_58 : memref<16xi32, #tpu.memory_space<vmem>>) semaphore(%arg9 : memref<!tpu.dma_semaphore, #tpu.memory_space<semaphore_mem>>)
    %dma_start3A_62 = arith.constant 0 : i32
    %dma_start3A_63 = arith.constant 32 : i32
    %dma_start3A_64 = arith.constant 0 : i32
    %dma_start3A_65 = tpu.memref_slice %arg7[%dma_start3A_63, %dma_start3A_64] : memref<64x768xf32, #tpu.memory_space<vmem>> -> memref<16x768xf32, #tpu.memory_space<vmem>>
    %dma_start3A_66 = arith.constant 96 : i32
    %dma_start3A_67 = tpu.memref_slice %arg5[%dma_start3A_62, %dma_start3A_66] : memref<56x128xi32, #tpu.memory_space<vmem>> -> memref<1x16xi32, #tpu.memory_space<vmem>>
    %dma_start3A_68 = tpu.memref_squeeze %dma_start3A_67 : memref<1x16xi32, #tpu.memory_space<vmem>> -> memref<16xi32, #tpu.memory_space<vmem>>
    %dma_start3A_69 = arith.constant 0 : i32
    %dma_start3A_70 = arith.constant 0 : i32
    %dma_start3A_71 = tpu.memref_slice %arg3[%dma_start3A_69, %dma_start3A_70] : memref<30522x768xf32, #tpu.memory_space<hbm>> -> memref<30522x768xf32, #tpu.memory_space<hbm>>
    tpu.enqueue_indirect_dma source(%dma_start3A_71 : memref<30522x768xf32, #tpu.memory_space<hbm>>) target(%dma_start3A_65 : memref<16x768xf32, #tpu.memory_space<vmem>>) offsets(%dma_start3A_68 : memref<16xi32, #tpu.memory_space<vmem>>) semaphore(%arg9 : memref<!tpu.dma_semaphore, #tpu.memory_space<semaphore_mem>>)
    %dma_start3A_72 = arith.constant 0 : i32
    %dma_start3A_73 = arith.constant 48 : i32
    %dma_start3A_74 = arith.constant 0 : i32
    %dma_start3A_75 = tpu.memref_slice %arg7[%dma_start3A_73, %dma_start3A_74] : memref<64x768xf32, #tpu.memory_space<vmem>> -> memref<16x768xf32, #tpu.memory_space<vmem>>
    %dma_start3A_76 = arith.constant 112 : i32
    %dma_start3A_77 = tpu.memref_slice %arg5[%dma_start3A_72, %dma_start3A_76] : memref<56x128xi32, #tpu.memory_space<vmem>> -> memref<1x16xi32, #tpu.memory_space<vmem>>
    %dma_start3A_78 = tpu.memref_squeeze %dma_start3A_77 : memref<1x16xi32, #tpu.memory_space<vmem>> -> memref<16xi32, #tpu.memory_space<vmem>>
    %dma_start3A_79 = arith.constant 0 : i32
    %dma_start3A_80 = arith.constant 0 : i32
    %dma_start3A_81 = tpu.memref_slice %arg3[%dma_start3A_79, %dma_start3A_80] : memref<30522x768xf32, #tpu.memory_space<hbm>> -> memref<30522x768xf32, #tpu.memory_space<hbm>>
    tpu.enqueue_indirect_dma source(%dma_start3A_81 : memref<30522x768xf32, #tpu.memory_space<hbm>>) target(%dma_start3A_75 : memref<16x768xf32, #tpu.memory_space<vmem>>) offsets(%dma_start3A_78 : memref<16xi32, #tpu.memory_space<vmem>>) semaphore(%arg9 : memref<!tpu.dma_semaphore, #tpu.memory_space<semaphore_mem>>)
    %dma_wait3A = arith.constant 0 : i32
    %dma_wait3A_82 = arith.constant 0 : i32
    %dma_wait3A_83 = tpu.memref_slice %arg3[%dma_wait3A, %dma_wait3A_82] : memref<30522x768xf32, #tpu.memory_space<hbm>> -> memref<64x768xf32, #tpu.memory_space<hbm>>
    %dma_wait3A_84 = arith.constant 0 : i32
    %dma_wait3A_85 = arith.constant 0 : i32
    %dma_wait3A_86 = tpu.memref_slice %arg3[%dma_wait3A_84, %dma_wait3A_85] : memref<30522x768xf32, #tpu.memory_space<hbm>> -> memref<64x768xf32, #tpu.memory_space<hbm>>
    tpu.wait_dma2 semaphore(%arg8 : memref<!tpu.dma_semaphore, #tpu.memory_space<semaphore_mem>>) src(%dma_wait3A_86 : memref<64x768xf32, #tpu.memory_space<hbm>>) dst(%arg6 : memref<64x768xf32, #tpu.memory_space<vmem>>)
    %add3A_87 = arith.constant 0 : i32
    %add3A_88 = arith.addi %mul3A_2, %add3A_87 : i32
    %dma_start3A_89 = arith.constant 0 : i32
    %dma_start3A_90 = arith.constant 0 : i32
    %dma_start3A_91 = tpu.memref_slice %arg4[%dma_start3A_89, %add3A_88, %dma_start3A_90] : memref<50x4096x768xf32, #tpu.memory_space<hbm>> -> memref<1x64x768xf32, #tpu.memory_space<hbm>>
    %dma_start3A_92 = tpu.memref_squeeze %dma_start3A_91 : memref<1x64x768xf32, #tpu.memory_space<hbm>> -> memref<64x768xf32, #tpu.memory_space<hbm>>
    %dma_start3A_93 = arith.constant 0 : i32
    %dma_start3A_94 = tpu.memref_slice %arg4[%dma_start3A_89, %add3A_88, %dma_start3A_93] : memref<50x4096x768xf32, #tpu.memory_space<hbm>> -> memref<1x64x768xf32, #tpu.memory_space<hbm>>
    %dma_start3A_95 = tpu.memref_squeeze %dma_start3A_94 : memref<1x64x768xf32, #tpu.memory_space<hbm>> -> memref<64x768xf32, #tpu.memory_space<hbm>>
    tpu.enqueue_dma source(%arg6 : memref<64x768xf32, #tpu.memory_space<vmem>>) target(%dma_start3A_95 : memref<64x768xf32, #tpu.memory_space<hbm>>) target_semaphore(%arg10 : memref<!tpu.dma_semaphore, #tpu.memory_space<semaphore_mem>>)
    %scan3A = arith.constant 0 : i32
    %scan3A_96 = arith.constant 0 : i32
    %scan3A_97 = arith.constant 49 : i32
    %scan3A_98 = arith.addi %scan3A_96, %scan3A_97 : i32
    %scan3A_99 = arith.constant 1 : i32
    scf.for %scan3A_134 = %scan3A_96 to %scan3A_98 step %scan3A_99  : i32 {
      %mul3A_135 = arith.constant 2 : i32
      %mul3A_136 = arith.muli %mul3A_135, %scan3A_134 : i32
      %add3A_137 = arith.constant 0 : i32
      %add3A_138 = arith.addi %mul3A_136, %add3A_137 : i32
      %add3A_139 = arith.constant 1 : i32
      %add3A_140 = arith.addi %add3A_138, %add3A_139 : i32
      %sub3A = arith.constant 1 : i32
      %sub3A_141 = arith.subi %add3A_140, %sub3A : i32
      %jit3A = arith.constant 2 : i32
      %div3A = arith.divsi %sub3A_141, %jit3A : i32
      %sign3A = arith.constant 0 : i32
      %sign3A_142 = arith.cmpi sgt, %sub3A_141, %sign3A : i32
      %sign3A_143 = arith.extui %sign3A_142 : i1 to i32
      %sign3A_144 = arith.constant 0 : i32
      %sign3A_145 = arith.cmpi slt, %sub3A_141, %sign3A_144 : i32
      %sign3A_146 = arith.extui %sign3A_145 : i1 to i32
      %sign3A_147 = arith.subi %sign3A_143, %sign3A_146 : i32
      %sign3A_148 = arith.constant 0 : i32
      %sign3A_149 = arith.cmpi sgt, %jit3A, %sign3A_148 : i32
      %sign3A_150 = arith.extui %sign3A_149 : i1 to i32
      %sign3A_151 = arith.constant 0 : i32
      %sign3A_152 = arith.cmpi slt, %jit3A, %sign3A_151 : i32
      %sign3A_153 = arith.extui %sign3A_152 : i1 to i32
      %sign3A_154 = arith.subi %sign3A_150, %sign3A_153 : i32
      %ne3A = arith.cmpi ne, %sign3A_147, %sign3A_154 : i32
      %rem3A = arith.remsi %sub3A_141, %jit3A : i32
      %ne3A_155 = arith.constant 0 : i32
      %ne3A_156 = arith.cmpi ne, %rem3A, %ne3A_155 : i32
      %and3A = arith.andi %ne3A, %ne3A_156 : i1
      %sub3A_157 = arith.constant 1 : i32
      %sub3A_158 = arith.subi %div3A, %sub3A_157 : i32
      %select_n3A = arith.select %and3A, %sub3A_158, %div3A : i32
      %jit3A_159 = arith.constant 2 : i32
      %eq3A = arith.constant 0 : i32
      %eq3A_160 = arith.cmpi eq, %jit3A_159, %eq3A : i32
      %jit3A_161 = arith.constant 1 : i32
      %select_n3A_162 = arith.select %eq3A_160, %jit3A_161, %jit3A_159 : i32
      %rem3A_163 = arith.remsi %sub3A_141, %select_n3A_162 : i32
      %ne3A_164 = arith.constant 0 : i32
      %ne3A_165 = arith.cmpi ne, %rem3A_163, %ne3A_164 : i32
      %lt3A = arith.constant 0 : i32
      %lt3A_166 = arith.cmpi slt, %rem3A_163, %lt3A : i32
      %lt3A_167 = arith.constant 0 : i32
      %lt3A_168 = arith.cmpi slt, %select_n3A_162, %lt3A_167 : i32
      %ne3A_169 = arith.xori %lt3A_166, %lt3A_168 : i1
      %and3A_170 = arith.andi %ne3A_169, %ne3A_165 : i1
      %add3A_171 = arith.addi %rem3A_163, %select_n3A_162 : i32
      %select_n3A_172 = arith.select %and3A_170, %add3A_171, %rem3A_163 : i32
      %mul3A_173 = arith.constant 64 : i32
      %mul3A_174 = arith.muli %select_n3A_172, %mul3A_173 : i32
      %add3A_175 = arith.addi %mul3A_2, %mul3A_174 : i32
      %dma_wait3A_176 = arith.constant 0 : i32
      %dma_wait3A_177 = tpu.memref_slice %arg4[%select_n3A, %add3A_175, %dma_wait3A_176] : memref<50x4096x768xf32, #tpu.memory_space<hbm>> -> memref<1x64x768xf32, #tpu.memory_space<hbm>>
      %dma_wait3A_178 = tpu.memref_squeeze %dma_wait3A_177 : memref<1x64x768xf32, #tpu.memory_space<hbm>> -> memref<64x768xf32, #tpu.memory_space<hbm>>
      %dma_wait3A_179 = arith.constant 0 : i32
      %dma_wait3A_180 = tpu.memref_slice %arg4[%select_n3A, %add3A_175, %dma_wait3A_179] : memref<50x4096x768xf32, #tpu.memory_space<hbm>> -> memref<1x64x768xf32, #tpu.memory_space<hbm>>
      %dma_wait3A_181 = tpu.memref_squeeze %dma_wait3A_180 : memref<1x64x768xf32, #tpu.memory_space<hbm>> -> memref<64x768xf32, #tpu.memory_space<hbm>>
      tpu.wait_dma2 semaphore(%arg10 : memref<!tpu.dma_semaphore, #tpu.memory_space<semaphore_mem>>) src(%arg6 : memref<64x768xf32, #tpu.memory_space<vmem>>) dst(%dma_wait3A_181 : memref<64x768xf32, #tpu.memory_space<hbm>>)
      %add3A_182 = arith.constant 2 : i32
      %add3A_183 = arith.addi %add3A_140, %add3A_182 : i32
      %sub3A_184 = arith.constant 1 : i32
      %sub3A_185 = arith.subi %add3A_183, %sub3A_184 : i32
      %jit3A_186 = arith.constant 2 : i32
      %div3A_187 = arith.divsi %sub3A_185, %jit3A_186 : i32
      %sign3A_188 = arith.constant 0 : i32
      %sign3A_189 = arith.cmpi sgt, %sub3A_185, %sign3A_188 : i32
      %sign3A_190 = arith.extui %sign3A_189 : i1 to i32
      %sign3A_191 = arith.constant 0 : i32
      %sign3A_192 = arith.cmpi slt, %sub3A_185, %sign3A_191 : i32
      %sign3A_193 = arith.extui %sign3A_192 : i1 to i32
      %sign3A_194 = arith.subi %sign3A_190, %sign3A_193 : i32
      %sign3A_195 = arith.constant 0 : i32
      %sign3A_196 = arith.cmpi sgt, %jit3A_186, %sign3A_195 : i32
      %sign3A_197 = arith.extui %sign3A_196 : i1 to i32
      %sign3A_198 = arith.constant 0 : i32
      %sign3A_199 = arith.cmpi slt, %jit3A_186, %sign3A_198 : i32
      %sign3A_200 = arith.extui %sign3A_199 : i1 to i32
      %sign3A_201 = arith.subi %sign3A_197, %sign3A_200 : i32
      %ne3A_202 = arith.cmpi ne, %sign3A_194, %sign3A_201 : i32
      %rem3A_203 = arith.remsi %sub3A_185, %jit3A_186 : i32
      %ne3A_204 = arith.constant 0 : i32
      %ne3A_205 = arith.cmpi ne, %rem3A_203, %ne3A_204 : i32
      %and3A_206 = arith.andi %ne3A_202, %ne3A_205 : i1
      %sub3A_207 = arith.constant 1 : i32
      %sub3A_208 = arith.subi %div3A_187, %sub3A_207 : i32
      %select_n3A_209 = arith.select %and3A_206, %sub3A_208, %div3A_187 : i32
      %jit3A_210 = arith.constant 2 : i32
      %eq3A_211 = arith.constant 0 : i32
      %eq3A_212 = arith.cmpi eq, %jit3A_210, %eq3A_211 : i32
      %jit3A_213 = arith.constant 1 : i32
      %select_n3A_214 = arith.select %eq3A_212, %jit3A_213, %jit3A_210 : i32
      %rem3A_215 = arith.remsi %sub3A_185, %select_n3A_214 : i32
      %ne3A_216 = arith.constant 0 : i32
      %ne3A_217 = arith.cmpi ne, %rem3A_215, %ne3A_216 : i32
      %lt3A_218 = arith.constant 0 : i32
      %lt3A_219 = arith.cmpi slt, %rem3A_215, %lt3A_218 : i32
      %lt3A_220 = arith.constant 0 : i32
      %lt3A_221 = arith.cmpi slt, %select_n3A_214, %lt3A_220 : i32
      %ne3A_222 = arith.xori %lt3A_219, %lt3A_221 : i1
      %and3A_223 = arith.andi %ne3A_222, %ne3A_217 : i1
      %add3A_224 = arith.addi %rem3A_215, %select_n3A_214 : i32
      %select_n3A_225 = arith.select %and3A_223, %add3A_224, %rem3A_215 : i32
      %mul3A_226 = arith.constant 64 : i32
      %mul3A_227 = arith.muli %select_n3A_225, %mul3A_226 : i32
      %add3A_228 = arith.constant 0 : i32
      %add3A_229 = arith.addi %mul3A_227, %add3A_228 : i32
      %dma_start3A_230 = arith.constant 0 : i32
      %dma_start3A_231 = arith.constant 0 : i32
      %dma_start3A_232 = tpu.memref_slice %arg6[%dma_start3A_230, %dma_start3A_231] : memref<64x768xf32, #tpu.memory_space<vmem>> -> memref<16x768xf32, #tpu.memory_space<vmem>>
      %dma_start3A_233 = tpu.memref_slice %arg5[%select_n3A_209, %add3A_229] : memref<56x128xi32, #tpu.memory_space<vmem>> -> memref<1x16xi32, #tpu.memory_space<vmem>>
      %dma_start3A_234 = tpu.memref_squeeze %dma_start3A_233 : memref<1x16xi32, #tpu.memory_space<vmem>> -> memref<16xi32, #tpu.memory_space<vmem>>
      %dma_start3A_235 = arith.constant 0 : i32
      %dma_start3A_236 = arith.constant 0 : i32
      %dma_start3A_237 = tpu.memref_slice %arg3[%dma_start3A_235, %dma_start3A_236] : memref<30522x768xf32, #tpu.memory_space<hbm>> -> memref<30522x768xf32, #tpu.memory_space<hbm>>
      tpu.enqueue_indirect_dma source(%dma_start3A_237 : memref<30522x768xf32, #tpu.memory_space<hbm>>) target(%dma_start3A_232 : memref<16x768xf32, #tpu.memory_space<vmem>>) offsets(%dma_start3A_234 : memref<16xi32, #tpu.memory_space<vmem>>) semaphore(%arg8 : memref<!tpu.dma_semaphore, #tpu.memory_space<semaphore_mem>>)
      %mul3A_238 = arith.constant 64 : i32
      %mul3A_239 = arith.muli %select_n3A_225, %mul3A_238 : i32
      %add3A_240 = arith.constant 16 : i32
      %add3A_241 = arith.addi %mul3A_239, %add3A_240 : i32
      %dma_start3A_242 = arith.constant 16 : i32
      %dma_start3A_243 = arith.constant 0 : i32
      %dma_start3A_244 = tpu.memref_slice %arg6[%dma_start3A_242, %dma_start3A_243] : memref<64x768xf32, #tpu.memory_space<vmem>> -> memref<16x768xf32, #tpu.memory_space<vmem>>
      %dma_start3A_245 = tpu.memref_slice %arg5[%select_n3A_209, %add3A_241] : memref<56x128xi32, #tpu.memory_space<vmem>> -> memref<1x16xi32, #tpu.memory_space<vmem>>
      %dma_start3A_246 = tpu.memref_squeeze %dma_start3A_245 : memref<1x16xi32, #tpu.memory_space<vmem>> -> memref<16xi32, #tpu.memory_space<vmem>>
      %dma_start3A_247 = arith.constant 0 : i32
      %dma_start3A_248 = arith.constant 0 : i32
      %dma_start3A_249 = tpu.memref_slice %arg3[%dma_start3A_247, %dma_start3A_248] : memref<30522x768xf32, #tpu.memory_space<hbm>> -> memref<30522x768xf32, #tpu.memory_space<hbm>>
      tpu.enqueue_indirect_dma source(%dma_start3A_249 : memref<30522x768xf32, #tpu.memory_space<hbm>>) target(%dma_start3A_244 : memref<16x768xf32, #tpu.memory_space<vmem>>) offsets(%dma_start3A_246 : memref<16xi32, #tpu.memory_space<vmem>>) semaphore(%arg8 : memref<!tpu.dma_semaphore, #tpu.memory_space<semaphore_mem>>)
      %mul3A_250 = arith.constant 64 : i32
      %mul3A_251 = arith.muli %select_n3A_225, %mul3A_250 : i32
      %add3A_252 = arith.constant 32 : i32
      %add3A_253 = arith.addi %mul3A_251, %add3A_252 : i32
      %dma_start3A_254 = arith.constant 32 : i32
      %dma_start3A_255 = arith.constant 0 : i32
      %dma_start3A_256 = tpu.memref_slice %arg6[%dma_start3A_254, %dma_start3A_255] : memref<64x768xf32, #tpu.memory_space<vmem>> -> memref<16x768xf32, #tpu.memory_space<vmem>>
      %dma_start3A_257 = tpu.memref_slice %arg5[%select_n3A_209, %add3A_253] : memref<56x128xi32, #tpu.memory_space<vmem>> -> memref<1x16xi32, #tpu.memory_space<vmem>>
      %dma_start3A_258 = tpu.memref_squeeze %dma_start3A_257 : memref<1x16xi32, #tpu.memory_space<vmem>> -> memref<16xi32, #tpu.memory_space<vmem>>
      %dma_start3A_259 = arith.constant 0 : i32
      %dma_start3A_260 = arith.constant 0 : i32
      %dma_start3A_261 = tpu.memref_slice %arg3[%dma_start3A_259, %dma_start3A_260] : memref<30522x768xf32, #tpu.memory_space<hbm>> -> memref<30522x768xf32, #tpu.memory_space<hbm>>
      tpu.enqueue_indirect_dma source(%dma_start3A_261 : memref<30522x768xf32, #tpu.memory_space<hbm>>) target(%dma_start3A_256 : memref<16x768xf32, #tpu.memory_space<vmem>>) offsets(%dma_start3A_258 : memref<16xi32, #tpu.memory_space<vmem>>) semaphore(%arg8 : memref<!tpu.dma_semaphore, #tpu.memory_space<semaphore_mem>>)
      %mul3A_262 = arith.constant 64 : i32
      %mul3A_263 = arith.muli %select_n3A_225, %mul3A_262 : i32
      %add3A_264 = arith.constant 48 : i32
      %add3A_265 = arith.addi %mul3A_263, %add3A_264 : i32
      %dma_start3A_266 = arith.constant 48 : i32
      %dma_start3A_267 = arith.constant 0 : i32
      %dma_start3A_268 = tpu.memref_slice %arg6[%dma_start3A_266, %dma_start3A_267] : memref<64x768xf32, #tpu.memory_space<vmem>> -> memref<16x768xf32, #tpu.memory_space<vmem>>
      %dma_start3A_269 = tpu.memref_slice %arg5[%select_n3A_209, %add3A_265] : memref<56x128xi32, #tpu.memory_space<vmem>> -> memref<1x16xi32, #tpu.memory_space<vmem>>
      %dma_start3A_270 = tpu.memref_squeeze %dma_start3A_269 : memref<1x16xi32, #tpu.memory_space<vmem>> -> memref<16xi32, #tpu.memory_space<vmem>>
      %dma_start3A_271 = arith.constant 0 : i32
      %dma_start3A_272 = arith.constant 0 : i32
      %dma_start3A_273 = tpu.memref_slice %arg3[%dma_start3A_271, %dma_start3A_272] : memref<30522x768xf32, #tpu.memory_space<hbm>> -> memref<30522x768xf32, #tpu.memory_space<hbm>>
      tpu.enqueue_indirect_dma source(%dma_start3A_273 : memref<30522x768xf32, #tpu.memory_space<hbm>>) target(%dma_start3A_268 : memref<16x768xf32, #tpu.memory_space<vmem>>) offsets(%dma_start3A_270 : memref<16xi32, #tpu.memory_space<vmem>>) semaphore(%arg8 : memref<!tpu.dma_semaphore, #tpu.memory_space<semaphore_mem>>)
      %dma_wait3A_274 = arith.constant 0 : i32
      %dma_wait3A_275 = arith.constant 0 : i32
      %dma_wait3A_276 = tpu.memref_slice %arg3[%dma_wait3A_274, %dma_wait3A_275] : memref<30522x768xf32, #tpu.memory_space<hbm>> -> memref<64x768xf32, #tpu.memory_space<hbm>>
      %dma_wait3A_277 = arith.constant 0 : i32
      %dma_wait3A_278 = arith.constant 0 : i32
      %dma_wait3A_279 = tpu.memref_slice %arg3[%dma_wait3A_277, %dma_wait3A_278] : memref<30522x768xf32, #tpu.memory_space<hbm>> -> memref<64x768xf32, #tpu.memory_space<hbm>>
      tpu.wait_dma2 semaphore(%arg9 : memref<!tpu.dma_semaphore, #tpu.memory_space<semaphore_mem>>) src(%dma_wait3A_279 : memref<64x768xf32, #tpu.memory_space<hbm>>) dst(%arg7 : memref<64x768xf32, #tpu.memory_space<vmem>>)
      %jit3A_280 = arith.constant 2 : i32
      %div3A_281 = arith.divsi %add3A_140, %jit3A_280 : i32
      %sign3A_282 = arith.constant 0 : i32
      %sign3A_283 = arith.cmpi sgt, %add3A_140, %sign3A_282 : i32
      %sign3A_284 = arith.extui %sign3A_283 : i1 to i32
      %sign3A_285 = arith.constant 0 : i32
      %sign3A_286 = arith.cmpi slt, %add3A_140, %sign3A_285 : i32
      %sign3A_287 = arith.extui %sign3A_286 : i1 to i32
      %sign3A_288 = arith.subi %sign3A_284, %sign3A_287 : i32
      %sign3A_289 = arith.constant 0 : i32
      %sign3A_290 = arith.cmpi sgt, %jit3A_280, %sign3A_289 : i32
      %sign3A_291 = arith.extui %sign3A_290 : i1 to i32
      %sign3A_292 = arith.constant 0 : i32
      %sign3A_293 = arith.cmpi slt, %jit3A_280, %sign3A_292 : i32
      %sign3A_294 = arith.extui %sign3A_293 : i1 to i32
      %sign3A_295 = arith.subi %sign3A_291, %sign3A_294 : i32
      %ne3A_296 = arith.cmpi ne, %sign3A_288, %sign3A_295 : i32
      %rem3A_297 = arith.remsi %add3A_140, %jit3A_280 : i32
      %ne3A_298 = arith.constant 0 : i32
      %ne3A_299 = arith.cmpi ne, %rem3A_297, %ne3A_298 : i32
      %and3A_300 = arith.andi %ne3A_296, %ne3A_299 : i1
      %sub3A_301 = arith.constant 1 : i32
      %sub3A_302 = arith.subi %div3A_281, %sub3A_301 : i32
      %select_n3A_303 = arith.select %and3A_300, %sub3A_302, %div3A_281 : i32
      %jit3A_304 = arith.constant 2 : i32
      %eq3A_305 = arith.constant 0 : i32
      %eq3A_306 = arith.cmpi eq, %jit3A_304, %eq3A_305 : i32
      %jit3A_307 = arith.constant 1 : i32
      %select_n3A_308 = arith.select %eq3A_306, %jit3A_307, %jit3A_304 : i32
      %rem3A_309 = arith.remsi %add3A_140, %select_n3A_308 : i32
      %ne3A_310 = arith.constant 0 : i32
      %ne3A_311 = arith.cmpi ne, %rem3A_309, %ne3A_310 : i32
      %lt3A_312 = arith.constant 0 : i32
      %lt3A_313 = arith.cmpi slt, %rem3A_309, %lt3A_312 : i32
      %lt3A_314 = arith.constant 0 : i32
      %lt3A_315 = arith.cmpi slt, %select_n3A_308, %lt3A_314 : i32
      %ne3A_316 = arith.xori %lt3A_313, %lt3A_315 : i1
      %and3A_317 = arith.andi %ne3A_316, %ne3A_311 : i1
      %add3A_318 = arith.addi %rem3A_309, %select_n3A_308 : i32
      %select_n3A_319 = arith.select %and3A_317, %add3A_318, %rem3A_309 : i32
      %mul3A_320 = arith.constant 64 : i32
      %mul3A_321 = arith.muli %select_n3A_319, %mul3A_320 : i32
      %add3A_322 = arith.addi %mul3A_2, %mul3A_321 : i32
      %dma_start3A_323 = arith.constant 0 : i32
      %dma_start3A_324 = tpu.memref_slice %arg4[%select_n3A_303, %add3A_322, %dma_start3A_323] : memref<50x4096x768xf32, #tpu.memory_space<hbm>> -> memref<1x64x768xf32, #tpu.memory_space<hbm>>
      %dma_start3A_325 = tpu.memref_squeeze %dma_start3A_324 : memref<1x64x768xf32, #tpu.memory_space<hbm>> -> memref<64x768xf32, #tpu.memory_space<hbm>>
      %dma_start3A_326 = arith.constant 0 : i32
      %dma_start3A_327 = tpu.memref_slice %arg4[%select_n3A_303, %add3A_322, %dma_start3A_326] : memref<50x4096x768xf32, #tpu.memory_space<hbm>> -> memref<1x64x768xf32, #tpu.memory_space<hbm>>
      %dma_start3A_328 = tpu.memref_squeeze %dma_start3A_327 : memref<1x64x768xf32, #tpu.memory_space<hbm>> -> memref<64x768xf32, #tpu.memory_space<hbm>>
      tpu.enqueue_dma source(%arg7 : memref<64x768xf32, #tpu.memory_space<vmem>>) target(%dma_start3A_328 : memref<64x768xf32, #tpu.memory_space<hbm>>) target_semaphore(%arg11 : memref<!tpu.dma_semaphore, #tpu.memory_space<semaphore_mem>>)
      %mul3A_329 = arith.constant 2 : i32
      %mul3A_330 = arith.muli %mul3A_329, %scan3A_134 : i32
      %add3A_331 = arith.constant 1 : i32
      %add3A_332 = arith.addi %mul3A_330, %add3A_331 : i32
      %add3A_333 = arith.constant 1 : i32
      %add3A_334 = arith.addi %add3A_332, %add3A_333 : i32
      %sub3A_335 = arith.constant 1 : i32
      %sub3A_336 = arith.subi %add3A_334, %sub3A_335 : i32
      %jit3A_337 = arith.constant 2 : i32
      %div3A_338 = arith.divsi %sub3A_336, %jit3A_337 : i32
      %sign3A_339 = arith.constant 0 : i32
      %sign3A_340 = arith.cmpi sgt, %sub3A_336, %sign3A_339 : i32
      %sign3A_341 = arith.extui %sign3A_340 : i1 to i32
      %sign3A_342 = arith.constant 0 : i32
      %sign3A_343 = arith.cmpi slt, %sub3A_336, %sign3A_342 : i32
      %sign3A_344 = arith.extui %sign3A_343 : i1 to i32
      %sign3A_345 = arith.subi %sign3A_341, %sign3A_344 : i32
      %sign3A_346 = arith.constant 0 : i32
      %sign3A_347 = arith.cmpi sgt, %jit3A_337, %sign3A_346 : i32
      %sign3A_348 = arith.extui %sign3A_347 : i1 to i32
      %sign3A_349 = arith.constant 0 : i32
      %sign3A_350 = arith.cmpi slt, %jit3A_337, %sign3A_349 : i32
      %sign3A_351 = arith.extui %sign3A_350 : i1 to i32
      %sign3A_352 = arith.subi %sign3A_348, %sign3A_351 : i32
      %ne3A_353 = arith.cmpi ne, %sign3A_345, %sign3A_352 : i32
      %rem3A_354 = arith.remsi %sub3A_336, %jit3A_337 : i32
      %ne3A_355 = arith.constant 0 : i32
      %ne3A_356 = arith.cmpi ne, %rem3A_354, %ne3A_355 : i32
      %and3A_357 = arith.andi %ne3A_353, %ne3A_356 : i1
      %sub3A_358 = arith.constant 1 : i32
      %sub3A_359 = arith.subi %div3A_338, %sub3A_358 : i32
      %select_n3A_360 = arith.select %and3A_357, %sub3A_359, %div3A_338 : i32
      %jit3A_361 = arith.constant 2 : i32
      %eq3A_362 = arith.constant 0 : i32
      %eq3A_363 = arith.cmpi eq, %jit3A_361, %eq3A_362 : i32
      %jit3A_364 = arith.constant 1 : i32
      %select_n3A_365 = arith.select %eq3A_363, %jit3A_364, %jit3A_361 : i32
      %rem3A_366 = arith.remsi %sub3A_336, %select_n3A_365 : i32
      %ne3A_367 = arith.constant 0 : i32
      %ne3A_368 = arith.cmpi ne, %rem3A_366, %ne3A_367 : i32
      %lt3A_369 = arith.constant 0 : i32
      %lt3A_370 = arith.cmpi slt, %rem3A_366, %lt3A_369 : i32
      %lt3A_371 = arith.constant 0 : i32
      %lt3A_372 = arith.cmpi slt, %select_n3A_365, %lt3A_371 : i32
      %ne3A_373 = arith.xori %lt3A_370, %lt3A_372 : i1
      %and3A_374 = arith.andi %ne3A_373, %ne3A_368 : i1
      %add3A_375 = arith.addi %rem3A_366, %select_n3A_365 : i32
      %select_n3A_376 = arith.select %and3A_374, %add3A_375, %rem3A_366 : i32
      %mul3A_377 = arith.constant 64 : i32
      %mul3A_378 = arith.muli %select_n3A_376, %mul3A_377 : i32
      %add3A_379 = arith.addi %mul3A_2, %mul3A_378 : i32
      %dma_wait3A_380 = arith.constant 0 : i32
      %dma_wait3A_381 = tpu.memref_slice %arg4[%select_n3A_360, %add3A_379, %dma_wait3A_380] : memref<50x4096x768xf32, #tpu.memory_space<hbm>> -> memref<1x64x768xf32, #tpu.memory_space<hbm>>
      %dma_wait3A_382 = tpu.memref_squeeze %dma_wait3A_381 : memref<1x64x768xf32, #tpu.memory_space<hbm>> -> memref<64x768xf32, #tpu.memory_space<hbm>>
      %dma_wait3A_383 = arith.constant 0 : i32
      %dma_wait3A_384 = tpu.memref_slice %arg4[%select_n3A_360, %add3A_379, %dma_wait3A_383] : memref<50x4096x768xf32, #tpu.memory_space<hbm>> -> memref<1x64x768xf32, #tpu.memory_space<hbm>>
      %dma_wait3A_385 = tpu.memref_squeeze %dma_wait3A_384 : memref<1x64x768xf32, #tpu.memory_space<hbm>> -> memref<64x768xf32, #tpu.memory_space<hbm>>
      tpu.wait_dma2 semaphore(%arg11 : memref<!tpu.dma_semaphore, #tpu.memory_space<semaphore_mem>>) src(%arg7 : memref<64x768xf32, #tpu.memory_space<vmem>>) dst(%dma_wait3A_385 : memref<64x768xf32, #tpu.memory_space<hbm>>)
      %add3A_386 = arith.constant 2 : i32
      %add3A_387 = arith.addi %add3A_334, %add3A_386 : i32
      %sub3A_388 = arith.constant 1 : i32
      %sub3A_389 = arith.subi %add3A_387, %sub3A_388 : i32
      %jit3A_390 = arith.constant 2 : i32
      %div3A_391 = arith.divsi %sub3A_389, %jit3A_390 : i32
      %sign3A_392 = arith.constant 0 : i32
      %sign3A_393 = arith.cmpi sgt, %sub3A_389, %sign3A_392 : i32
      %sign3A_394 = arith.extui %sign3A_393 : i1 to i32
      %sign3A_395 = arith.constant 0 : i32
      %sign3A_396 = arith.cmpi slt, %sub3A_389, %sign3A_395 : i32
      %sign3A_397 = arith.extui %sign3A_396 : i1 to i32
      %sign3A_398 = arith.subi %sign3A_394, %sign3A_397 : i32
      %sign3A_399 = arith.constant 0 : i32
      %sign3A_400 = arith.cmpi sgt, %jit3A_390, %sign3A_399 : i32
      %sign3A_401 = arith.extui %sign3A_400 : i1 to i32
      %sign3A_402 = arith.constant 0 : i32
      %sign3A_403 = arith.cmpi slt, %jit3A_390, %sign3A_402 : i32
      %sign3A_404 = arith.extui %sign3A_403 : i1 to i32
      %sign3A_405 = arith.subi %sign3A_401, %sign3A_404 : i32
      %ne3A_406 = arith.cmpi ne, %sign3A_398, %sign3A_405 : i32
      %rem3A_407 = arith.remsi %sub3A_389, %jit3A_390 : i32
      %ne3A_408 = arith.constant 0 : i32
      %ne3A_409 = arith.cmpi ne, %rem3A_407, %ne3A_408 : i32
      %and3A_410 = arith.andi %ne3A_406, %ne3A_409 : i1
      %sub3A_411 = arith.constant 1 : i32
      %sub3A_412 = arith.subi %div3A_391, %sub3A_411 : i32
      %select_n3A_413 = arith.select %and3A_410, %sub3A_412, %div3A_391 : i32
      %jit3A_414 = arith.constant 2 : i32
      %eq3A_415 = arith.constant 0 : i32
      %eq3A_416 = arith.cmpi eq, %jit3A_414, %eq3A_415 : i32
      %jit3A_417 = arith.constant 1 : i32
      %select_n3A_418 = arith.select %eq3A_416, %jit3A_417, %jit3A_414 : i32
      %rem3A_419 = arith.remsi %sub3A_389, %select_n3A_418 : i32
      %ne3A_420 = arith.constant 0 : i32
      %ne3A_421 = arith.cmpi ne, %rem3A_419, %ne3A_420 : i32
      %lt3A_422 = arith.constant 0 : i32
      %lt3A_423 = arith.cmpi slt, %rem3A_419, %lt3A_422 : i32
      %lt3A_424 = arith.constant 0 : i32
      %lt3A_425 = arith.cmpi slt, %select_n3A_418, %lt3A_424 : i32
      %ne3A_426 = arith.xori %lt3A_423, %lt3A_425 : i1
      %and3A_427 = arith.andi %ne3A_426, %ne3A_421 : i1
      %add3A_428 = arith.addi %rem3A_419, %select_n3A_418 : i32
      %select_n3A_429 = arith.select %and3A_427, %add3A_428, %rem3A_419 : i32
      %mul3A_430 = arith.constant 64 : i32
      %mul3A_431 = arith.muli %select_n3A_429, %mul3A_430 : i32
      %add3A_432 = arith.constant 0 : i32
      %add3A_433 = arith.addi %mul3A_431, %add3A_432 : i32
      %dma_start3A_434 = arith.constant 0 : i32
      %dma_start3A_435 = arith.constant 0 : i32
      %dma_start3A_436 = tpu.memref_slice %arg7[%dma_start3A_434, %dma_start3A_435] : memref<64x768xf32, #tpu.memory_space<vmem>> -> memref<16x768xf32, #tpu.memory_space<vmem>>
      %dma_start3A_437 = tpu.memref_slice %arg5[%select_n3A_413, %add3A_433] : memref<56x128xi32, #tpu.memory_space<vmem>> -> memref<1x16xi32, #tpu.memory_space<vmem>>
      %dma_start3A_438 = tpu.memref_squeeze %dma_start3A_437 : memref<1x16xi32, #tpu.memory_space<vmem>> -> memref<16xi32, #tpu.memory_space<vmem>>
      %dma_start3A_439 = arith.constant 0 : i32
      %dma_start3A_440 = arith.constant 0 : i32
      %dma_start3A_441 = tpu.memref_slice %arg3[%dma_start3A_439, %dma_start3A_440] : memref<30522x768xf32, #tpu.memory_space<hbm>> -> memref<30522x768xf32, #tpu.memory_space<hbm>>
      tpu.enqueue_indirect_dma source(%dma_start3A_441 : memref<30522x768xf32, #tpu.memory_space<hbm>>) target(%dma_start3A_436 : memref<16x768xf32, #tpu.memory_space<vmem>>) offsets(%dma_start3A_438 : memref<16xi32, #tpu.memory_space<vmem>>) semaphore(%arg9 : memref<!tpu.dma_semaphore, #tpu.memory_space<semaphore_mem>>)
      %mul3A_442 = arith.constant 64 : i32
      %mul3A_443 = arith.muli %select_n3A_429, %mul3A_442 : i32
      %add3A_444 = arith.constant 16 : i32
      %add3A_445 = arith.addi %mul3A_443, %add3A_444 : i32
      %dma_start3A_446 = arith.constant 16 : i32
      %dma_start3A_447 = arith.constant 0 : i32
      %dma_start3A_448 = tpu.memref_slice %arg7[%dma_start3A_446, %dma_start3A_447] : memref<64x768xf32, #tpu.memory_space<vmem>> -> memref<16x768xf32, #tpu.memory_space<vmem>>
      %dma_start3A_449 = tpu.memref_slice %arg5[%select_n3A_413, %add3A_445] : memref<56x128xi32, #tpu.memory_space<vmem>> -> memref<1x16xi32, #tpu.memory_space<vmem>>
      %dma_start3A_450 = tpu.memref_squeeze %dma_start3A_449 : memref<1x16xi32, #tpu.memory_space<vmem>> -> memref<16xi32, #tpu.memory_space<vmem>>
      %dma_start3A_451 = arith.constant 0 : i32
      %dma_start3A_452 = arith.constant 0 : i32
      %dma_start3A_453 = tpu.memref_slice %arg3[%dma_start3A_451, %dma_start3A_452] : memref<30522x768xf32, #tpu.memory_space<hbm>> -> memref<30522x768xf32, #tpu.memory_space<hbm>>
      tpu.enqueue_indirect_dma source(%dma_start3A_453 : memref<30522x768xf32, #tpu.memory_space<hbm>>) target(%dma_start3A_448 : memref<16x768xf32, #tpu.memory_space<vmem>>) offsets(%dma_start3A_450 : memref<16xi32, #tpu.memory_space<vmem>>) semaphore(%arg9 : memref<!tpu.dma_semaphore, #tpu.memory_space<semaphore_mem>>)
      %mul3A_454 = arith.constant 64 : i32
      %mul3A_455 = arith.muli %select_n3A_429, %mul3A_454 : i32
      %add3A_456 = arith.constant 32 : i32
      %add3A_457 = arith.addi %mul3A_455, %add3A_456 : i32
      %dma_start3A_458 = arith.constant 32 : i32
      %dma_start3A_459 = arith.constant 0 : i32
      %dma_start3A_460 = tpu.memref_slice %arg7[%dma_start3A_458, %dma_start3A_459] : memref<64x768xf32, #tpu.memory_space<vmem>> -> memref<16x768xf32, #tpu.memory_space<vmem>>
      %dma_start3A_461 = tpu.memref_slice %arg5[%select_n3A_413, %add3A_457] : memref<56x128xi32, #tpu.memory_space<vmem>> -> memref<1x16xi32, #tpu.memory_space<vmem>>
      %dma_start3A_462 = tpu.memref_squeeze %dma_start3A_461 : memref<1x16xi32, #tpu.memory_space<vmem>> -> memref<16xi32, #tpu.memory_space<vmem>>
      %dma_start3A_463 = arith.constant 0 : i32
      %dma_start3A_464 = arith.constant 0 : i32
      %dma_start3A_465 = tpu.memref_slice %arg3[%dma_start3A_463, %dma_start3A_464] : memref<30522x768xf32, #tpu.memory_space<hbm>> -> memref<30522x768xf32, #tpu.memory_space<hbm>>
      tpu.enqueue_indirect_dma source(%dma_start3A_465 : memref<30522x768xf32, #tpu.memory_space<hbm>>) target(%dma_start3A_460 : memref<16x768xf32, #tpu.memory_space<vmem>>) offsets(%dma_start3A_462 : memref<16xi32, #tpu.memory_space<vmem>>) semaphore(%arg9 : memref<!tpu.dma_semaphore, #tpu.memory_space<semaphore_mem>>)
      %mul3A_466 = arith.constant 64 : i32
      %mul3A_467 = arith.muli %select_n3A_429, %mul3A_466 : i32
      %add3A_468 = arith.constant 48 : i32
      %add3A_469 = arith.addi %mul3A_467, %add3A_468 : i32
      %dma_start3A_470 = arith.constant 48 : i32
      %dma_start3A_471 = arith.constant 0 : i32
      %dma_start3A_472 = tpu.memref_slice %arg7[%dma_start3A_470, %dma_start3A_471] : memref<64x768xf32, #tpu.memory_space<vmem>> -> memref<16x768xf32, #tpu.memory_space<vmem>>
      %dma_start3A_473 = tpu.memref_slice %arg5[%select_n3A_413, %add3A_469] : memref<56x128xi32, #tpu.memory_space<vmem>> -> memref<1x16xi32, #tpu.memory_space<vmem>>
      %dma_start3A_474 = tpu.memref_squeeze %dma_start3A_473 : memref<1x16xi32, #tpu.memory_space<vmem>> -> memref<16xi32, #tpu.memory_space<vmem>>
      %dma_start3A_475 = arith.constant 0 : i32
      %dma_start3A_476 = arith.constant 0 : i32
      %dma_start3A_477 = tpu.memref_slice %arg3[%dma_start3A_475, %dma_start3A_476] : memref<30522x768xf32, #tpu.memory_space<hbm>> -> memref<30522x768xf32, #tpu.memory_space<hbm>>
      tpu.enqueue_indirect_dma source(%dma_start3A_477 : memref<30522x768xf32, #tpu.memory_space<hbm>>) target(%dma_start3A_472 : memref<16x768xf32, #tpu.memory_space<vmem>>) offsets(%dma_start3A_474 : memref<16xi32, #tpu.memory_space<vmem>>) semaphore(%arg9 : memref<!tpu.dma_semaphore, #tpu.memory_space<semaphore_mem>>)
      %dma_wait3A_478 = arith.constant 0 : i32
      %dma_wait3A_479 = arith.constant 0 : i32
      %dma_wait3A_480 = tpu.memref_slice %arg3[%dma_wait3A_478, %dma_wait3A_479] : memref<30522x768xf32, #tpu.memory_space<hbm>> -> memref<64x768xf32, #tpu.memory_space<hbm>>
      %dma_wait3A_481 = arith.constant 0 : i32
      %dma_wait3A_482 = arith.constant 0 : i32
      %dma_wait3A_483 = tpu.memref_slice %arg3[%dma_wait3A_481, %dma_wait3A_482] : memref<30522x768xf32, #tpu.memory_space<hbm>> -> memref<64x768xf32, #tpu.memory_space<hbm>>
      tpu.wait_dma2 semaphore(%arg8 : memref<!tpu.dma_semaphore, #tpu.memory_space<semaphore_mem>>) src(%dma_wait3A_483 : memref<64x768xf32, #tpu.memory_space<hbm>>) dst(%arg6 : memref<64x768xf32, #tpu.memory_space<vmem>>)
      %jit3A_484 = arith.constant 2 : i32
      %div3A_485 = arith.divsi %add3A_334, %jit3A_484 : i32
      %sign3A_486 = arith.constant 0 : i32
      %sign3A_487 = arith.cmpi sgt, %add3A_334, %sign3A_486 : i32
      %sign3A_488 = arith.extui %sign3A_487 : i1 to i32
      %sign3A_489 = arith.constant 0 : i32
      %sign3A_490 = arith.cmpi slt, %add3A_334, %sign3A_489 : i32
      %sign3A_491 = arith.extui %sign3A_490 : i1 to i32
      %sign3A_492 = arith.subi %sign3A_488, %sign3A_491 : i32
      %sign3A_493 = arith.constant 0 : i32
      %sign3A_494 = arith.cmpi sgt, %jit3A_484, %sign3A_493 : i32
      %sign3A_495 = arith.extui %sign3A_494 : i1 to i32
      %sign3A_496 = arith.constant 0 : i32
      %sign3A_497 = arith.cmpi slt, %jit3A_484, %sign3A_496 : i32
      %sign3A_498 = arith.extui %sign3A_497 : i1 to i32
      %sign3A_499 = arith.subi %sign3A_495, %sign3A_498 : i32
      %ne3A_500 = arith.cmpi ne, %sign3A_492, %sign3A_499 : i32
      %rem3A_501 = arith.remsi %add3A_334, %jit3A_484 : i32
      %ne3A_502 = arith.constant 0 : i32
      %ne3A_503 = arith.cmpi ne, %rem3A_501, %ne3A_502 : i32
      %and3A_504 = arith.andi %ne3A_500, %ne3A_503 : i1
      %sub3A_505 = arith.constant 1 : i32
      %sub3A_506 = arith.subi %div3A_485, %sub3A_505 : i32
      %select_n3A_507 = arith.select %and3A_504, %sub3A_506, %div3A_485 : i32
      %jit3A_508 = arith.constant 2 : i32
      %eq3A_509 = arith.constant 0 : i32
      %eq3A_510 = arith.cmpi eq, %jit3A_508, %eq3A_509 : i32
      %jit3A_511 = arith.constant 1 : i32
      %select_n3A_512 = arith.select %eq3A_510, %jit3A_511, %jit3A_508 : i32
      %rem3A_513 = arith.remsi %add3A_334, %select_n3A_512 : i32
      %ne3A_514 = arith.constant 0 : i32
      %ne3A_515 = arith.cmpi ne, %rem3A_513, %ne3A_514 : i32
      %lt3A_516 = arith.constant 0 : i32
      %lt3A_517 = arith.cmpi slt, %rem3A_513, %lt3A_516 : i32
      %lt3A_518 = arith.constant 0 : i32
      %lt3A_519 = arith.cmpi slt, %select_n3A_512, %lt3A_518 : i32
      %ne3A_520 = arith.xori %lt3A_517, %lt3A_519 : i1
      %and3A_521 = arith.andi %ne3A_520, %ne3A_515 : i1
      %add3A_522 = arith.addi %rem3A_513, %select_n3A_512 : i32
      %select_n3A_523 = arith.select %and3A_521, %add3A_522, %rem3A_513 : i32
      %mul3A_524 = arith.constant 64 : i32
      %mul3A_525 = arith.muli %select_n3A_523, %mul3A_524 : i32
      %add3A_526 = arith.addi %mul3A_2, %mul3A_525 : i32
      %dma_start3A_527 = arith.constant 0 : i32
      %dma_start3A_528 = tpu.memref_slice %arg4[%select_n3A_507, %add3A_526, %dma_start3A_527] : memref<50x4096x768xf32, #tpu.memory_space<hbm>> -> memref<1x64x768xf32, #tpu.memory_space<hbm>>
      %dma_start3A_529 = tpu.memref_squeeze %dma_start3A_528 : memref<1x64x768xf32, #tpu.memory_space<hbm>> -> memref<64x768xf32, #tpu.memory_space<hbm>>
      %dma_start3A_530 = arith.constant 0 : i32
      %dma_start3A_531 = tpu.memref_slice %arg4[%select_n3A_507, %add3A_526, %dma_start3A_530] : memref<50x4096x768xf32, #tpu.memory_space<hbm>> -> memref<1x64x768xf32, #tpu.memory_space<hbm>>
      %dma_start3A_532 = tpu.memref_squeeze %dma_start3A_531 : memref<1x64x768xf32, #tpu.memory_space<hbm>> -> memref<64x768xf32, #tpu.memory_space<hbm>>
      tpu.enqueue_dma source(%arg6 : memref<64x768xf32, #tpu.memory_space<vmem>>) target(%dma_start3A_532 : memref<64x768xf32, #tpu.memory_space<hbm>>) target_semaphore(%arg10 : memref<!tpu.dma_semaphore, #tpu.memory_space<semaphore_mem>>)
    }
    %scan3A_100 = arith.constant 49 : i32
    %add3A_101 = arith.constant 0 : i32
    %add3A_102 = arith.addi %mul3A_2, %add3A_101 : i32
    %dma_wait3A_103 = arith.constant 49 : i32
    %dma_wait3A_104 = arith.constant 0 : i32
    %dma_wait3A_105 = tpu.memref_slice %arg4[%dma_wait3A_103, %add3A_102, %dma_wait3A_104] : memref<50x4096x768xf32, #tpu.memory_space<hbm>> -> memref<1x64x768xf32, #tpu.memory_space<hbm>>
    %dma_wait3A_106 = tpu.memref_squeeze %dma_wait3A_105 : memref<1x64x768xf32, #tpu.memory_space<hbm>> -> memref<64x768xf32, #tpu.memory_space<hbm>>
    %dma_wait3A_107 = arith.constant 0 : i32
    %dma_wait3A_108 = tpu.memref_slice %arg4[%dma_wait3A_103, %add3A_102, %dma_wait3A_107] : memref<50x4096x768xf32, #tpu.memory_space<hbm>> -> memref<1x64x768xf32, #tpu.memory_space<hbm>>
    %dma_wait3A_109 = tpu.memref_squeeze %dma_wait3A_108 : memref<1x64x768xf32, #tpu.memory_space<hbm>> -> memref<64x768xf32, #tpu.memory_space<hbm>>
    tpu.wait_dma2 semaphore(%arg10 : memref<!tpu.dma_semaphore, #tpu.memory_space<semaphore_mem>>) src(%arg6 : memref<64x768xf32, #tpu.memory_space<vmem>>) dst(%dma_wait3A_109 : memref<64x768xf32, #tpu.memory_space<hbm>>)
    %dma_wait3A_110 = arith.constant 0 : i32
    %dma_wait3A_111 = arith.constant 0 : i32
    %dma_wait3A_112 = tpu.memref_slice %arg3[%dma_wait3A_110, %dma_wait3A_111] : memref<30522x768xf32, #tpu.memory_space<hbm>> -> memref<64x768xf32, #tpu.memory_space<hbm>>
    %dma_wait3A_113 = arith.constant 0 : i32
    %dma_wait3A_114 = arith.constant 0 : i32
    %dma_wait3A_115 = tpu.memref_slice %arg3[%dma_wait3A_113, %dma_wait3A_114] : memref<30522x768xf32, #tpu.memory_space<hbm>> -> memref<64x768xf32, #tpu.memory_space<hbm>>
    tpu.wait_dma2 semaphore(%arg9 : memref<!tpu.dma_semaphore, #tpu.memory_space<semaphore_mem>>) src(%dma_wait3A_115 : memref<64x768xf32, #tpu.memory_space<hbm>>) dst(%arg7 : memref<64x768xf32, #tpu.memory_space<vmem>>)
    %add3A_116 = arith.constant 64 : i32
    %add3A_117 = arith.addi %mul3A_2, %add3A_116 : i32
    %dma_start3A_118 = arith.constant 49 : i32
    %dma_start3A_119 = arith.constant 0 : i32
    %dma_start3A_120 = tpu.memref_slice %arg4[%dma_start3A_118, %add3A_117, %dma_start3A_119] : memref<50x4096x768xf32, #tpu.memory_space<hbm>> -> memref<1x64x768xf32, #tpu.memory_space<hbm>>
    %dma_start3A_121 = tpu.memref_squeeze %dma_start3A_120 : memref<1x64x768xf32, #tpu.memory_space<hbm>> -> memref<64x768xf32, #tpu.memory_space<hbm>>
    %dma_start3A_122 = arith.constant 0 : i32
    %dma_start3A_123 = tpu.memref_slice %arg4[%dma_start3A_118, %add3A_117, %dma_start3A_122] : memref<50x4096x768xf32, #tpu.memory_space<hbm>> -> memref<1x64x768xf32, #tpu.memory_space<hbm>>
    %dma_start3A_124 = tpu.memref_squeeze %dma_start3A_123 : memref<1x64x768xf32, #tpu.memory_space<hbm>> -> memref<64x768xf32, #tpu.memory_space<hbm>>
    tpu.enqueue_dma source(%arg7 : memref<64x768xf32, #tpu.memory_space<vmem>>) target(%dma_start3A_124 : memref<64x768xf32, #tpu.memory_space<hbm>>) target_semaphore(%arg11 : memref<!tpu.dma_semaphore, #tpu.memory_space<semaphore_mem>>)
    %add3A_125 = arith.constant 64 : i32
    %add3A_126 = arith.addi %mul3A_2, %add3A_125 : i32
    %dma_wait3A_127 = arith.constant 49 : i32
    %dma_wait3A_128 = arith.constant 0 : i32
    %dma_wait3A_129 = tpu.memref_slice %arg4[%dma_wait3A_127, %add3A_126, %dma_wait3A_128] : memref<50x4096x768xf32, #tpu.memory_space<hbm>> -> memref<1x64x768xf32, #tpu.memory_space<hbm>>
    %dma_wait3A_130 = tpu.memref_squeeze %dma_wait3A_129 : memref<1x64x768xf32, #tpu.memory_space<hbm>> -> memref<64x768xf32, #tpu.memory_space<hbm>>
    %dma_wait3A_131 = arith.constant 0 : i32
    %dma_wait3A_132 = tpu.memref_slice %arg4[%dma_wait3A_127, %add3A_126, %dma_wait3A_131] : memref<50x4096x768xf32, #tpu.memory_space<hbm>> -> memref<1x64x768xf32, #tpu.memory_space<hbm>>
    %dma_wait3A_133 = tpu.memref_squeeze %dma_wait3A_132 : memref<1x64x768xf32, #tpu.memory_space<hbm>> -> memref<64x768xf32, #tpu.memory_space<hbm>>
    tpu.wait_dma2 semaphore(%arg11 : memref<!tpu.dma_semaphore, #tpu.memory_space<semaphore_mem>>) src(%arg7 : memref<64x768xf32, #tpu.memory_space<vmem>>) dst(%dma_wait3A_133 : memref<64x768xf32, #tpu.memory_space<hbm>>)
    return
  }
}

</mosaic_0001>

<sc_bundles>
// kernel: _gather.3.cloned.1.call-start
scs
__scs_entry_jumppad:
0x0: {  	(pc) =	sbr.rel $0x88, $3  }
0x1: {  	(tag) =	ssettag $0x0;
	lr =	simm.s32 $0x1  }
0x2: {  	[smem:$0x3F9F] =	sst lr;
	_ =	strace $0xD0000000  }
0x3: {  	_ = 	snop  }
0x4: {  	_ = 	snop  }
0x5: {  	_ = 	snop  }
0x6: {  	_ = 	snop  }
0x7: {  	_ = 	snop  }
__scs_overlays_trampoline_lowered:
0x8: {  	[smem:$0x3FAE] =	sst s0  }
0x9: {  	[smem:$0x3FAF] =	sst s1  }
0xa: {  	[smem:$0x3FB0] =	sst s2  }
0xb: {  	[smem:$0x3FB1] =	sst s3  }
0xc: {  	[smem:$0x3FB2] =	sst s4  }
0xd: {  	[smem:$0x3FB3] =	sst s5  }
0xe: {  	[smem:$0x3FB4] =	sst s6  }
0xf: {  	[smem:$0x3FB5] =	sst s7  }
0x10: {  	[smem:$0x3FB6] =	sst s8  }
0x11: {  	[smem:$0x3FB7] =	sst s9;
	s0 =	simm.s32 @!p0 $0x0  }
0x12: {  	s1 =	sld [smem:$0x3F9D];
	s0 =	simm.s32 @p0 $0x1  }
0x13: {  	[smem:$0x3FB8] =	sst s0;
	s0 =	simm.s32 @!p1 $0x0  }
0x14: {  	s2 =	sld [smem:$0x3F9C];
	s0 =	simm.s32 @p1 $0x1  }
0x15: {  	[smem:$0x3FB9] =	sst s0;
	s0 =	simm.s32 @!p2 $0x0  }
0x16: {  	s3 =	sld [smem:$0x3FDB];
	s0 =	simm.s32 @p2 $0x1  }
0x17: {  	s4 =	simm.s32 $0x1BF5;
	[smem:$0x3FBB] =	sst s0  }
0x18: {  	s0 =	sld [smem:$0x3F9E];
	_ =	swait.ge [sflag:s4], $0x0  }
0x19: {  	s7 =	sld [smem:$0x3F9F]  }
0x1a: {  	s8 =	sadd.s32 $0xFFFFE003, lr  }
0x1b: {  	s9 =	sadd.s32 $0xFFFFFEF7, lr;
	s5 =	simm.s32 $0xFFFFFFFF;
	p2 =	slt.u32 s8, $0xFFFFF086  }
0x1c: {  	p1 =	slt.u32 s9, $0xF7A;
	s5 =	simm.s32 @!p2 $0x0  }
0x1d: {  	s5 =	simm.s32 @p1 $0x1;
	p0 =	seq.s32 s7, s2  }
0x1e: {  	s7 =	smul.u32 @!p0 $0xF7A, s2;
	p2 =	seq.s32 @!p0 s5, $0x0  }
0x1f: {  	s9 =	smul.u32 $0xF7A, s1;
	s8 =	simm.s32 @!p0 $0x1BF5;
	p2 =	por !p2, p0  }
0x20: {  	[sflag:s8] =	ssyncset.s32 @!p0 $0xFFFFF086;
	s6 =	sadd.s32 @!p0 s3, s7;
	s7 =	simm.s32 @!p0 $0x108  }
0x21: {  	s3 =	sadd.s32 s3, s9;
	s6 =	sadd.s32 @!p0 $0x88, s6;
	s7 =	simm.s32 @p2 $0x1082  }
0x22: {  	[simem:s7], [sflag:s8] =	dma.local @!p0 [hbm:s6], $0xF7A  }
0x23: {  	s9 =	sor.u32 $0xD0000000, s2;
	s6 =	simm.s32 $0x108;
	_ =	swait.ge @!p0 [sflag:s8], $0x0  }
0x24: {  	s3 =	sadd.s32 $0x88, s3;
	s6 =	simm.s32 @!p1 $0x1082;
	[sflag:s4] =	ssyncset.s32 $0xFFFFF086  }
0x25: {  	[simem:s6], [sflag:s4] =	dma.local [hbm:s3], $0xF7A  }
0x26: {  	[smem:$0x3F9F] =	sst s1;
	(tag) =	ssettag s2;
	_ =	strace s9  }
0x27: {  	s1 =	sld [smem:$0x3FAF]  }
0x28: {  	s2 =	sld [smem:$0x3FB0]  }
0x29: {  	s4 =	sld [smem:$0x3FB2]  }
0x2a: {  	p0 =	seq.s32 s5, $0x0;
	s5 =	sld [smem:$0x3FB3]  }
0x2b: {  	s6 =	sld [smem:$0x3FB4]  }
0x2c: {  	s7 =	sld [smem:$0x3FB5]  }
0x2d: {  	s3 =	simm.s32 $0x108;
	s8 =	sld [smem:$0x3FB6]  }
0x2e: {  	s3 =	simm.s32 @!p0 $0x1082;
	s9 =	sld [smem:$0x3FB7]  }
0x2f: {  	lr =	sadd.s32 s0, s3;
	s0 =	sld [smem:$0x3FAE]  }
0x30: {  	s3 =	sld [smem:$0x3FB1]  }
0x31: {  	[smem:$0x3FBA] =	sst s10  }
0x32: {  	s10 =	sld [smem:$0x3FB8];
	_ =	sdelay $0x3  }
0x33: {  	p0 =	seq.s32 s10, $0x1;
	s10 =	sld [smem:$0x3FBA];
	_ =	sdelay $0x3  }
0x34: {  	[smem:$0x3FBA] =	sst s10  }
0x35: {  	s10 =	sld [smem:$0x3FB9];
	_ =	sdelay $0x3  }
0x36: {  	p1 =	seq.s32 s10, $0x1;
	s10 =	sld [smem:$0x3FBA];
	_ =	sdelay $0x3  }
0x37: {  	[smem:$0x3FBA] =	sst s10  }
0x38: {  	s10 =	sld [smem:$0x3FBB]  }
0x39: {  	_ = 	snop;
	(pc) =	sbr.ind lr, $3  }
0x3a: {  	_ = 	snop  }
0x3b: {  	_ = 	snop  }
0x3c: {  	p2 =	seq.s32 s10, $0x1;
	s10 =	sld [smem:$0x3FBA]  }
0x3d: {  	_ =	shalt  }
0x3e: {  	_ =	shalt  }
0x3f: {  	_ =	shalt  }
0x40: {  	_ =	shalt  }
0x41: {  	_ =	shalt  }
0x42: {  	_ =	shalt  }
0x43: {  	_ =	shalt  }
0x44: {  	_ =	shalt  }
0x45: {  	_ =	shalt  }
0x46: {  	_ =	shalt  }
0x47: {  	_ =	shalt  }
0x48: {  	_ =	shalt  }
0x49: {  	_ =	shalt  }
0x4a: {  	_ =	shalt  }
0x4b: {  	_ =	shalt  }
0x4c: {  	_ =	shalt  }
0x4d: {  	_ =	shalt  }
0x4e: {  	_ =	shalt  }
0x4f: {  	_ =	shalt  }
0x50: {  	_ =	shalt  }
0x51: {  	_ =	shalt  }
0x52: {  	_ =	shalt  }
0x53: {  	_ =	shalt  }
0x54: {  	_ =	shalt  }
0x55: {  	_ =	shalt  }
0x56: {  	_ =	shalt  }
0x57: {  	_ =	shalt  }
0x58: {  	_ =	shalt  }
0x59: {  	_ =	shalt  }
0x5a: {  	_ =	shalt  }
0x5b: {  	_ =	shalt  }
0x5c: {  	_ =	shalt  }
0x5d: {  	_ =	shalt  }
0x5e: {  	_ =	shalt  }
0x5f: {  	_ =	shalt  }
0x60: {  	_ =	shalt  }
0x61: {  	_ =	shalt  }
0x62: {  	_ =	shalt  }
0x63: {  	_ =	shalt  }
0x64: {  	_ =	shalt  }
0x65: {  	_ =	shalt  }
0x66: {  	_ =	shalt  }
0x67: {  	_ =	shalt  }
0x68: {  	_ =	shalt  }
0x69: {  	_ =	shalt  }
0x6a: {  	_ =	shalt  }
0x6b: {  	_ =	shalt  }
0x6c: {  	_ =	shalt  }
0x6d: {  	_ =	shalt  }
0x6e: {  	_ =	shalt  }
0x6f: {  	_ =	shalt  }
0x70: {  	_ =	shalt  }
0x71: {  	_ =	shalt  }
0x72: {  	_ =	shalt  }
0x73: {  	_ =	shalt  }
0x74: {  	_ =	shalt  }
0x75: {  	_ =	shalt  }
0x76: {  	_ =	shalt  }
0x77: {  	_ =	shalt  }
0x78: {  	_ =	shalt  }
0x79: {  	_ =	shalt  }
0x7a: {  	_ =	shalt  }
0x7b: {  	_ =	shalt  }
0x7c: {  	_ =	shalt  }
0x7d: {  	_ =	shalt  }
0x7e: {  	_ =	shalt  }
0x7f: {  	_ =	shalt  }
0x80: {  	_ =	shalt  }
0x81: {  	_ =	shalt  }
0x82: {  	_ =	shalt  }
0x83: {  	_ =	shalt  }
0x84: {  	_ =	shalt  }
0x85: {  	_ =	shalt  }
0x86: {  	_ =	shalt  }
0x87: {  	_ =	shalt  }
.Lfunc_end0:
.L_simem_size_0:
called_computation_lowered:
.L_overlay_start_0:
0x88: {  	s2 =	sld [smem:$0x3FD9]  }
0x89: {  	s3 =	sld [smem:$0x3FFE];
	_ =	sdelay $0x1  }
0x8a: {  	s1 =	srdreg.scid  }
0x8b: {  	s0 =	sand.u32 $0x1, s1  }
0x8c: {  	s18 =	sshll.u32 s0, $0xA;
	s2 =	sadd.s32 s3, s2  }
0x8d: {  	s2 =	sadd.s32 s2, s18  }
0x8e: {  	[smem:$0x3FC6] =	sst s2  }
0x8f: {  	_ = 	snop  }
0x90: {  	s2 =	sld [smem:$0x3FC9]  }
0x91: {  	s19 =	sld [smem:$0x3FC8]  }
0x92: {  	s4 =	sld [smem:$0x3FD0];
	(tm) =	ssettm $0x1  }
0x93: {  	s5 =	sld [smem:$0x3FFB];
	_ =	sdelay $0x3  }
0x94: {  	_ =	strace s5  }
0x95: {  	s5 =	sld [smem:$0x3FFC];
	_ =	sdelay $0x3  }
0x96: {  	_ =	strace s5  }
0x97: {  	s5 =	sld [smem:$0x3FFD];
	_ =	sdelay $0x3  }
0x98: {  	_ =	strace s5  }
0x99: {  	_ =	strace $0x8FFFFFFF  }
0x9a: {  	s20 =	sld [smem:$0x3FDB];
	_ =	sdelay $0x1  }
0x9b: {  	s6 =	simm.s32 $_scs_section_size  }
0x9c: {  	s7 =	simm.s32 $_size__tile_overlayer_lowered;
	s8 =	simm.s32 $_tile_overlayer_lowered  }
0x9d: {  	s23 =	simm.s32 $0x1BFF;
	s22 =	sshll.u32 s8, $0x1;
	s5 =	sadd.s32 s6, s20  }
0x9e: {  	s9 =	simm.s32 $0x0;
	s21 =	sshll.u32 s7, $0x1;
	s7 =	sadd.s32 s22, s5  }
0x9f: {  	[timem:s9], [sflag:s23] =	dma.local [hbm:s7], s21  }
0xa0: {  	_ =	swait.ge [sflag:s23], s21  }
0xa1: {  	s6 =	ssub.s32 $0x0, s21;
	[sflag:s23] =	ssyncset.done $0x0  }
0xa2: {  	[sflag:s23] =	ssyncadd.s32 s6;
	_ =	sdelay $0x1  }
0xa3: {  	s24 =	simm.s32 $0x1B8B  }
0xa4: {  	_ =	swait.ge [sflag:s24], $0x1  }
0xa5: {  	[sflag:s24] =	ssyncset.done $0x0  }
0xa6: {  	s25 =	simm.s32 $0x1B8E;
	[sflag:s24] =	ssyncadd.s32 $0xFFFFFFFF  }
0xa7: {  	s26 =	simm.s32 $execute0_lowered;
	[smem:$0x3FD2] =	sst s25  }
0xa8: {  	s6 =	sshll.u32 s26, $0x1;
	_ =	strace $0x80000046;
	[dreg:$0x1] =	wrdreg $0xFFFFFFFF  }
0xa9: {  	s28 =	simm.s32 $_size_execute0_lowered;
	s5 =	sadd.s32 s5, s6;
	[dreg:$0x0] =	wrdreg $0x0  }
0xaa: {  	s6 =	sshll.u32 s28, $0x1;
	[dreg:$0x2] =	wrdreg s5  }
0xab: {  	[dreg:$0x3] =	wrdreg s6  }
0xac: {  	[dreg:$0x4] =	wrdreg $0xC0  }
0xad: {  	_ =	task [dreg:s9], $0x5FFFF  }
0xae: {  	[dreg:$0x1] =	wrdreg $0xFFFFFFFF  }
0xaf: {  	[dreg:$0x0] =	wrdreg $0x60  }
0xb0: {  	[dreg:$0x2] =	wrdreg s2  }
0xb1: {  	[dreg:$0x3] =	wrdreg s19  }
0xb2: {  	[dreg:$0x4] =	wrdreg s4  }
0xb3: {  	[dreg:$0x5] =	wrdreg $0x9  }
0xb4: {  	_ =	task.clear_ibuf [dreg:s9], $0x6FFFF;
	_ =	strace $0x90000046  }
0xb5: {  	s29 =	simm.s32 $0x9;
	_ =	strace $0x80000048  }
0xb6: {  	_ =	swait.ge [sflag:s29], $0x1  }
0xb7: {  	[sflag:s29] =	ssyncadd.s32 $0xFFFFFFFF  }
0xb8: {  	_ =	strace $0x90000048  }
0xb9: {  	_ =	sfence  }
0xba: {  	s30 =	sld [smem:$0x0];
	_ =	sdelay $0x2  }
0xbb: {  	s31 =	sshll.u32 s1, $0xD;
	s1 =	sshrl.u32 s1, $0x2  }
0xbc: {  	s3 =	sand.u32 $0x4000, s31;
	s1 =	sadd.s32 s1, s30  }
0xbd: {  	s0 =	sor.u32 s3, s0;
	s1 =	sshll.u32 s1, $0x11  }
0xbe: {  	s0 =	sor.u32 s1, s0  }
0xbf: {  	s0 =	sadd.s32 $0x8F2B, s0  }
0xc0: {  	[sflag:s0] =	ssyncadd.remote.s32 $0x1  }
0xc1: {  	_ =	sfence.sel $0xFFFF  }
0xc2: {  	[dreg:$0x0] =	wrdreg $0xFFFFFFFF;
	(pc) =	sbr.abs _section_cstart, $3  }
0xc3: {  	[dreg:$0x1] =	wrdreg $0xFFFFFFFF  }
0xc4: {  	_ =	task.clear_ibuf [dreg:s9], $0x2FFFF;
	_ =	strace $0x9FFFFFFF  }
0xc5: {  	(tm) =	ssettm $0x7FFFFFFF  }
tec
execute0_lowered:
.L_overlay_start_1:
0x0: {  	(tag) =	ssettag $0x1  }
0x1: {  	s1 =	rddreg [dreg:$0x0]  }
0x2: {  	s0 =	srdreg.scid;
	s2 =	rddreg [dreg:$0x1]  }
0x3: {  	s3 =	stileid.u32;
	s7 =	rddreg [dreg:$0x2];
	s13 =	simm.s32 $0x1C00  }
0x4: {  	s19 =	simm.s32 $0x2400;
	s9 =	simm.s32 $0xDC00;
	s12 =	simm.s32 $0x3  }
0x5: {  	s14 =	simm.s32 $0x2;
	s15 =	simm.s32 $0x4;
	s11 =	simm.s32 $0x12400  }
0x6: {  	s20 =	simm.s32 $0x13400;
	s21 =	simm.s32 $0x13C00;
	s22 =	simm.s32 $0x14400  }
0x7: {  	s23 =	simm.s32 $0x14C00;
	s24 =	simm.s32 $0x15400;
	s28 =	simm.s32 $0x16C00  }
0x8: {  	s29 =	simm.s32 $0x17400;
	s30 =	simm.s32 $0x17C00;
	s0 =	sand.u32 $0x1, s0  }
0x9: {  	s31 =	simm.s32 $0x18400;
	s3 =	sshll.u32 s3, $0x8;
	s4 =	sshll.u32 s0, $0x7  }
0xa: {  	s0 =	ssub.s32 $0x2, s0;
	s4 =	sor.u32 s4, s3;
	s3 =	simm.s32 $0x0  }
0xb: {  	s8 =	sshrl.u32 s0, $0x1;
	s5 =	sshrl.u32 s4, $0x3;
	[smem:$0x7FF] =	sst s3  }
0xc: {  	s0 =	ssub.s32 s0, s8;
	s1 =	sadd.s32 s1, s4;
	s8 =	simm.s32 $0x1  }
0xd: {  	s4 =	simm.s32 $0x12C00;
	s6 =	smul.u32 $0x1800, s5;
	_ =	strace $0x80000047  }
0xe: {  	s25 =	smul.u32 $0x300, s5;
	[dreg:$0x4] =	wrdreg s1;
	s0 =	smax.u32 s0, $0x1  }
0xf: {  	s5 =	sadd.s32 $0x100, s2;
	[dreg:$0x6] =	wrdreg s0;
	s6 =	sshrl.u32 s6, $0x3  }
0x10: {  	v2 =	vlaneseq.u32;
	s0 =	simm.s32 $0x0;
	s26 =	sadd.s32 s7, s6;
	s6 =	sadd.s32 $0x200, s2  }
0x11: {  	vm0 =	vmmov $0xffff;
	v1 =	vshrl.u32 v2, $0x3;
	s7 =	sadd.s32 s25, s7;
	s25 =	simm.s32 $0x15C00;
	s1 =	sadd.s32 $0x1261800, s26  }
0x12: {  	v0 =	vand.u32 $0x7, v2;
	v2 =	vor.u32 $0x8, v2;
	v1 =	vmul.u32 $0x8, v1;
	s26 =	simm.s32 $0x16400;
	[dreg:$0x5] =	wrdreg s1;
	s1 =	simm.s32 $0x18C00  }
.LBB2_1:
0x13: {  	[dreg:$0x7] =	wrdreg s0  }
0x14: {  	s16 =	rddreg [dreg:$0x4]  }
0x15: {  	s17 =	simm.s32 $0x400;
	s18 =	simm.s32 $0x8000;
	s10 =	simm.s32 $0x5  }
0x16: {  	[tilespmem:s3], [sflag:$0x5] =	stream.strided.gather [hbm4b:s16+s17], $0x1C00, s18, s17, $0x38;
	[tilespmem:$0x19C00] =	vst v63  }
0x17: {  	_ =	swait.ge [sflag:s10], $0x1C00  }
0x18: {  	[sflag:s10] =	ssyncset.done $0x0  }
0x19: {  	[sflag:s10] =	ssyncadd.s32 $0xFFFFE400  }
0x1a: {  	v3 =	vld [tilespmem:$0x0];
	_ =	sdelay $0x4  }
0x1b: {  	v4 =	vshrl.u32 v3, $0x3  }
0x1c: {  	v4 =	vmul.u32 $0x30, v4  }
0x1d: {  	v3 =	vand.u32 $0x7, v3  }
0x1e: {  	v3 =	vor.u32 v3, v4  }
0x1f: {  	v4 =	vperm.xlane v3, v0;
	_ =	sdelay $0x1  }
0x20: {  	v4 =	vadd.s32 v1, v4;
	_ =	sdelay $0x3  }
0x21: {  	v3 =	vperm.xlane v3, v2  }
0x22: {  	[tilespmem:s13], [sflag:$0x1] =	stream.indirect_vreg.gather [hbm4b:s2+s3], $0x80, v4, vm0, $0xb8;
	[tilespmem:$0x19C00] =	vst v63  }
0x23: {  	v3 =	vadd.s32 v1, v3  }
0x24: {  	[tilespmem:s19], [sflag:$0x1] =	stream.indirect_vreg.gather [hbm4b:s5+s3], $0x80, v4, vm0, $0xb8;
	[tilespmem:$0x19C00] =	vst v63  }
0x25: {  	s17 =	simm.s32 $0x2C00  }
0x26: {  	[tilespmem:s17], [sflag:$0x1] =	stream.indirect_vreg.gather [hbm4b:s6+s3], $0x80, v4, vm0, $0xb8;
	[tilespmem:$0x19C00] =	vst v63  }
0x27: {  	s18 =	simm.s32 $0x3400  }
0x28: {  	[tilespmem:s18], [sflag:$0x1] =	stream.indirect_vreg.gather [hbm4b:s2+s3], $0x80, v3, vm0, $0xb8;
	[tilespmem:$0x19C00] =	vst v63  }
0x29: {  	s10 =	simm.s32 $0x3C00  }
0x2a: {  	[tilespmem:s10], [sflag:$0x1] =	stream.indirect_vreg.gather [hbm4b:s5+s3], $0x80, v3, vm0, $0xb8;
	[tilespmem:$0x19C00] =	vst v63  }
0x2b: {  	s16 =	simm.s32 $0x4400  }
0x2c: {  	[tilespmem:s16], [sflag:$0x1] =	stream.indirect_vreg.gather [hbm4b:s6+s3], $0x80, v3, vm0, $0xb8;
	[tilespmem:$0x19C00] =	vst v63  }
0x2d: {  	v3 =	vld [tilespmem:$0x10];
	_ =	sdelay $0x4  }
0x2e: {  	v57 =	vshrl.u32 v3, $0x3  }
0x2f: {  	v4 =	vmul.u32 $0x30, v57  }
0x30: {  	v3 =	vand.u32 $0x7, v3  }
0x31: {  	v3 =	vor.u32 v3, v4  }
0x32: {  	v4 =	vperm.xlane v3, v0;
	_ =	sdelay $0x1  }
0x33: {  	v4 =	vadd.s32 v1, v4;
	_ =	sdelay $0x3  }
0x34: {  	s17 =	simm.s32 $0x4C00;
	v3 =	vperm.xlane v3, v2  }
0x35: {  	[tilespmem:s17], [sflag:$0x1] =	stream.indirect_vreg.gather [hbm4b:s2+s3], $0x80, v4, vm0, $0xb8;
	[tilespmem:$0x19C00] =	vst v63  }
0x36: {  	s18 =	simm.s32 $0x5400;
	v3 =	vadd.s32 v1, v3  }
0x37: {  	[tilespmem:s18], [sflag:$0x1] =	stream.indirect_vreg.gather [hbm4b:s5+s3], $0x80, v4, vm0, $0xb8;
	[tilespmem:$0x19C00] =	vst v63  }
0x38: {  	s10 =	simm.s32 $0x5C00  }
0x39: {  	[tilespmem:s10], [sflag:$0x1] =	stream.indirect_vreg.gather [hbm4b:s6+s3], $0x80, v4, vm0, $0xb8;
	[tilespmem:$0x19C00] =	vst v63  }
0x3a: {  	s16 =	simm.s32 $0x6400  }
0x3b: {  	[tilespmem:s16], [sflag:$0x1] =	stream.indirect_vreg.gather [hbm4b:s2+s3], $0x80, v3, vm0, $0xb8;
	[tilespmem:$0x19C00] =	vst v63  }
0x3c: {  	s17 =	simm.s32 $0x6C00  }
0x3d: {  	[tilespmem:s17], [sflag:$0x1] =	stream.indirect_vreg.gather [hbm4b:s5+s3], $0x80, v3, vm0, $0xb8;
	[tilespmem:$0x19C00] =	vst v63  }
0x3e: {  	s18 =	simm.s32 $0x7400  }
0x3f: {  	[tilespmem:s18], [sflag:$0x1] =	stream.indirect_vreg.gather [hbm4b:s6+s3], $0x80, v3, vm0, $0xb8;
	[tilespmem:$0x19C00] =	vst v63  }
0x40: {  	v3 =	vld [tilespmem:$0x20];
	_ =	sdelay $0x4  }
0x41: {  	v58 =	vshrl.u32 v3, $0x3  }
0x42: {  	v4 =	vmul.u32 $0x30, v58  }
0x43: {  	v3 =	vand.u32 $0x7, v3  }
0x44: {  	v3 =	vor.u32 v3, v4  }
0x45: {  	v4 =	vperm.xlane v3, v0;
	_ =	sdelay $0x1  }
0x46: {  	v4 =	vadd.s32 v1, v4;
	_ =	sdelay $0x3  }
0x47: {  	s10 =	simm.s32 $0x7C00;
	v3 =	vperm.xlane v3, v2  }
0x48: {  	[tilespmem:s10], [sflag:$0x1] =	stream.indirect_vreg.gather [hbm4b:s2+s3], $0x80, v4, vm0, $0xb8;
	[tilespmem:$0x19C00] =	vst v63  }
0x49: {  	s16 =	simm.s32 $0x8400;
	v3 =	vadd.s32 v1, v3  }
0x4a: {  	[tilespmem:s16], [sflag:$0x1] =	stream.indirect_vreg.gather [hbm4b:s5+s3], $0x80, v4, vm0, $0xb8;
	[tilespmem:$0x19C00] =	vst v63  }
0x4b: {  	s17 =	simm.s32 $0x8C00  }
0x4c: {  	[tilespmem:s17], [sflag:$0x1] =	stream.indirect_vreg.gather [hbm4b:s6+s3], $0x80, v4, vm0, $0xb8;
	[tilespmem:$0x19C00] =	vst v63  }
0x4d: {  	s18 =	simm.s32 $0x9400  }
0x4e: {  	[tilespmem:s18], [sflag:$0x1] =	stream.indirect_vreg.gather [hbm4b:s2+s3], $0x80, v3, vm0, $0xb8;
	[tilespmem:$0x19C00] =	vst v63  }
0x4f: {  	s10 =	simm.s32 $0x9C00  }
0x50: {  	[tilespmem:s10], [sflag:$0x1] =	stream.indirect_vreg.gather [hbm4b:s5+s3], $0x80, v3, vm0, $0xb8;
	[tilespmem:$0x19C00] =	vst v63  }
0x51: {  	s16 =	simm.s32 $0xA400  }
0x52: {  	[tilespmem:s16], [sflag:$0x1] =	stream.indirect_vreg.gather [hbm4b:s6+s3], $0x80, v3, vm0, $0xb8;
	[tilespmem:$0x19C00] =	vst v63  }
0x53: {  	v3 =	vld [tilespmem:$0x30];
	_ =	sdelay $0x4  }
0x54: {  	v59 =	vshrl.u32 v3, $0x3  }
0x55: {  	v4 =	vmul.u32 $0x30, v59  }
0x56: {  	v3 =	vand.u32 $0x7, v3  }
0x57: {  	v3 =	vor.u32 v3, v4  }
0x58: {  	v4 =	vperm.xlane v3, v0;
	_ =	sdelay $0x1  }
0x59: {  	v4 =	vadd.s32 v1, v4;
	_ =	sdelay $0x3  }
0x5a: {  	s17 =	simm.s32 $0xAC00;
	v3 =	vperm.xlane v3, v2  }
0x5b: {  	[tilespmem:s17], [sflag:$0x1] =	stream.indirect_vreg.gather [hbm4b:s2+s3], $0x80, v4, vm0, $0xb8;
	[tilespmem:$0x19C00] =	vst v63  }
0x5c: {  	s18 =	simm.s32 $0xB400;
	v3 =	vadd.s32 v1, v3  }
0x5d: {  	[tilespmem:s18], [sflag:$0x1] =	stream.indirect_vreg.gather [hbm4b:s5+s3], $0x80, v4, vm0, $0xb8;
	[tilespmem:$0x19C00] =	vst v63  }
0x5e: {  	s10 =	simm.s32 $0xBC00  }
0x5f: {  	[tilespmem:s10], [sflag:$0x1] =	stream.indirect_vreg.gather [hbm4b:s6+s3], $0x80, v4, vm0, $0xb8;
	[tilespmem:$0x19C00] =	vst v63  }
0x60: {  	s16 =	simm.s32 $0xC400  }
0x61: {  	[tilespmem:s16], [sflag:$0x1] =	stream.indirect_vreg.gather [hbm4b:s2+s3], $0x80, v3, vm0, $0xb8;
	[tilespmem:$0x19C00] =	vst v63  }
0x62: {  	s17 =	simm.s32 $0xCC00  }
0x63: {  	[tilespmem:s17], [sflag:$0x1] =	stream.indirect_vreg.gather [hbm4b:s5+s3], $0x80, v3, vm0, $0xb8;
	[tilespmem:$0x19C00] =	vst v63  }
0x64: {  	s18 =	simm.s32 $0xD400  }
0x65: {  	[tilespmem:s18], [sflag:$0x1] =	stream.indirect_vreg.gather [hbm4b:s6+s3], $0x80, v3, vm0, $0xb8;
	[tilespmem:$0x19C00] =	vst v63  }
0x66: {  	v3 =	vld [tilespmem:$0x40];
	_ =	sdelay $0x4  }
0x67: {  	v60 =	vshrl.u32 v3, $0x3  }
0x68: {  	v4 =	vmul.u32 $0x30, v60  }
0x69: {  	v3 =	vand.u32 $0x7, v3  }
0x6a: {  	v3 =	vor.u32 v3, v4  }
0x6b: {  	v4 =	vperm.xlane v3, v0;
	_ =	sdelay $0x1  }
0x6c: {  	v4 =	vadd.s32 v1, v4;
	_ =	sdelay $0x3  }
0x6d: {  	v3 =	vperm.xlane v3, v2  }
0x6e: {  	[tilespmem:s9], [sflag:$0x2] =	stream.indirect_vreg.gather [hbm4b:s2+s3], $0x80, v4, vm0, $0xb8;
	[tilespmem:$0x19C00] =	vst v63  }
0x6f: {  	s10 =	simm.s32 $0xE400;
	v3 =	vadd.s32 v1, v3  }
0x70: {  	[tilespmem:s10], [sflag:$0x2] =	stream.indirect_vreg.gather [hbm4b:s5+s3], $0x80, v4, vm0, $0xb8;
	[tilespmem:$0x19C00] =	vst v63  }
0x71: {  	s16 =	simm.s32 $0xEC00  }
0x72: {  	[tilespmem:s16], [sflag:$0x2] =	stream.indirect_vreg.gather [hbm4b:s6+s3], $0x80, v4, vm0, $0xb8;
	[tilespmem:$0x19C00] =	vst v63  }
0x73: {  	s17 =	simm.s32 $0xF400  }
0x74: {  	[tilespmem:s17], [sflag:$0x2] =	stream.indirect_vreg.gather [hbm4b:s2+s3], $0x80, v3, vm0, $0xb8;
	[tilespmem:$0x19C00] =	vst v63  }
0x75: {  	s18 =	simm.s32 $0xFC00  }
0x76: {  	[tilespmem:s18], [sflag:$0x2] =	stream.indirect_vreg.gather [hbm4b:s5+s3], $0x80, v3, vm0, $0xb8;
	[tilespmem:$0x19C00] =	vst v63  }
0x77: {  	s10 =	simm.s32 $0x10400  }
0x78: {  	[tilespmem:s10], [sflag:$0x2] =	stream.indirect_vreg.gather [hbm4b:s6+s3], $0x80, v3, vm0, $0xb8;
	[tilespmem:$0x19C00] =	vst v63  }
0x79: {  	v3 =	vld [tilespmem:$0x50];
	_ =	sdelay $0x4  }
0x7a: {  	v61 =	vshrl.u32 v3, $0x3  }
0x7b: {  	v4 =	vmul.u32 $0x30, v61  }
0x7c: {  	v3 =	vand.u32 $0x7, v3  }
0x7d: {  	v3 =	vor.u32 v3, v4  }
0x7e: {  	v4 =	vperm.xlane v3, v0;
	_ =	sdelay $0x1  }
0x7f: {  	v4 =	vadd.s32 v1, v4;
	_ =	sdelay $0x3  }
0x80: {  	s16 =	simm.s32 $0x10C00;
	v3 =	vperm.xlane v3, v2  }
0x81: {  	[tilespmem:s16], [sflag:$0x2] =	stream.indirect_vreg.gather [hbm4b:s2+s3], $0x80, v4, vm0, $0xb8;
	[tilespmem:$0x19C00] =	vst v63  }
0x82: {  	s17 =	simm.s32 $0x11400;
	v3 =	vadd.s32 v1, v3  }
0x83: {  	[tilespmem:s17], [sflag:$0x2] =	stream.indirect_vreg.gather [hbm4b:s5+s3], $0x80, v4, vm0, $0xb8;
	[tilespmem:$0x19C00] =	vst v63  }
0x84: {  	s18 =	simm.s32 $0x11C00  }
0x85: {  	[tilespmem:s18], [sflag:$0x2] =	stream.indirect_vreg.gather [hbm4b:s6+s3], $0x80, v4, vm0, $0xb8;
	[tilespmem:$0x19C00] =	vst v63  }
0x86: {  	_ = 	snop  }
0x87: {  	[tilespmem:s11], [sflag:$0x2] =	stream.indirect_vreg.gather [hbm4b:s2+s3], $0x80, v3, vm0, $0xb8;
	[tilespmem:$0x19C00] =	vst v63  }
0x88: {  	_ = 	snop  }
0x89: {  	[tilespmem:s4], [sflag:$0x2] =	stream.indirect_vreg.gather [hbm4b:s5+s3], $0x80, v3, vm0, $0xb8;
	[tilespmem:$0x19C00] =	vst v63  }
0x8a: {  	_ = 	snop  }
0x8b: {  	[tilespmem:s20], [sflag:$0x2] =	stream.indirect_vreg.gather [hbm4b:s6+s3], $0x80, v3, vm0, $0xb8;
	[tilespmem:$0x19C00] =	vst v63  }
0x8c: {  	v3 =	vld [tilespmem:$0x60];
	_ =	sdelay $0x4  }
0x8d: {  	v62 =	vshrl.u32 v3, $0x3  }
0x8e: {  	v4 =	vmul.u32 $0x30, v62  }
0x8f: {  	v3 =	vand.u32 $0x7, v3  }
0x90: {  	v3 =	vor.u32 v3, v4  }
0x91: {  	v4 =	vperm.xlane v3, v0;
	_ =	sdelay $0x1  }
0x92: {  	v4 =	vadd.s32 v1, v4;
	_ =	sdelay $0x3  }
0x93: {  	v3 =	vperm.xlane v3, v2  }
0x94: {  	[tilespmem:s21], [sflag:$0x2] =	stream.indirect_vreg.gather [hbm4b:s2+s3], $0x80, v4, vm0, $0xb8;
	[tilespmem:$0x19C00] =	vst v63  }
0x95: {  	v3 =	vadd.s32 v1, v3  }
0x96: {  	[tilespmem:s22], [sflag:$0x2] =	stream.indirect_vreg.gather [hbm4b:s5+s3], $0x80, v4, vm0, $0xb8;
	[tilespmem:$0x19C00] =	vst v63  }
0x97: {  	_ = 	snop  }
0x98: {  	[tilespmem:s23], [sflag:$0x2] =	stream.indirect_vreg.gather [hbm4b:s6+s3], $0x80, v4, vm0, $0xb8;
	[tilespmem:$0x19C00] =	vst v63  }
0x99: {  	_ = 	snop  }
0x9a: {  	[tilespmem:s24], [sflag:$0x2] =	stream.indirect_vreg.gather [hbm4b:s2+s3], $0x80, v3, vm0, $0xb8;
	[tilespmem:$0x19C00] =	vst v63  }
0x9b: {  	_ = 	snop  }
0x9c: {  	[tilespmem:s25], [sflag:$0x2] =	stream.indirect_vreg.gather [hbm4b:s5+s3], $0x80, v3, vm0, $0xb8;
	[tilespmem:$0x19C00] =	vst v63  }
0x9d: {  	_ = 	snop  }
0x9e: {  	[tilespmem:s26], [sflag:$0x2] =	stream.indirect_vreg.gather [hbm4b:s6+s3], $0x80, v3, vm0, $0xb8;
	[tilespmem:$0x19C00] =	vst v63  }
0x9f: {  	v3 =	vld [tilespmem:$0x70];
	_ =	sdelay $0x4  }
0xa0: {  	v63 =	vshrl.u32 v3, $0x3  }
0xa1: {  	v4 =	vmul.u32 $0x30, v63  }
0xa2: {  	v3 =	vand.u32 $0x7, v3  }
0xa3: {  	v3 =	vor.u32 v3, v4  }
0xa4: {  	v4 =	vperm.xlane v3, v0;
	_ =	sdelay $0x1  }
0xa5: {  	v4 =	vadd.s32 v1, v4;
	_ =	sdelay $0x3  }
0xa6: {  	v3 =	vperm.xlane v3, v2  }
0xa7: {  	[tilespmem:s28], [sflag:$0x2] =	stream.indirect_vreg.gather [hbm4b:s2+s3], $0x80, v4, vm0, $0xb8;
	[tilespmem:$0x19C00] =	vst v63  }
0xa8: {  	v3 =	vadd.s32 v1, v3  }
0xa9: {  	[tilespmem:s29], [sflag:$0x2] =	stream.indirect_vreg.gather [hbm4b:s5+s3], $0x80, v4, vm0, $0xb8;
	[tilespmem:$0x19C00] =	vst v63  }
0xaa: {  	_ = 	snop  }
0xab: {  	[tilespmem:s30], [sflag:$0x2] =	stream.indirect_vreg.gather [hbm4b:s6+s3], $0x80, v4, vm0, $0xb8;
	[tilespmem:$0x19C00] =	vst v63  }
0xac: {  	_ = 	snop  }
0xad: {  	[tilespmem:s31], [sflag:$0x2] =	stream.indirect_vreg.gather [hbm4b:s2+s3], $0x80, v3, vm0, $0xb8;
	[tilespmem:$0x19C00] =	vst v63  }
0xae: {  	_ = 	snop  }
0xaf: {  	[tilespmem:s1], [sflag:$0x2] =	stream.indirect_vreg.gather [hbm4b:s5+s3], $0x80, v3, vm0, $0xb8;
	[tilespmem:$0x19C00] =	vst v63  }
0xb0: {  	s0 =	simm.s32 $0x19400  }
0xb1: {  	[tilespmem:s0], [sflag:$0x2] =	stream.indirect_vreg.gather [hbm4b:s6+s3], $0x80, v3, vm0, $0xb8;
	[tilespmem:$0x19C00] =	vst v63  }
0xb2: {  	_ =	swait.ge [sflag:s8], $0xC000  }
0xb3: {  	[sflag:s8] =	ssyncset.done $0x0  }
0xb4: {  	s16 =	simm.s32 $0xFEDA0000;
	s17 =	simm.s32 $0xF0;
	[sflag:s8] =	ssyncadd.s32 $0xFFFF4000  }
0xb5: {  	[hbm4b:s7+s3] =	stream.linear.scatter [tilespmem:s13], [sflag:$0x3], $0xC000, $0x38;
	[tilespmem:$0x19C00] =	vst v63  }
.LBB2_2:
0xb6: {  	_ =	swait.ge [sflag:s12], $0xC000  }
0xb7: {  	[sflag:s12] =	ssyncset.done $0x0  }
0xb8: {  	[sflag:s12] =	ssyncadd.s32 $0xFFFF4000  }
0xb9: {  	v3 =	vld [tilespmem:s17+$0xFFFFFF90];
	_ =	sdelay $0x4  }
0xba: {  	v4 =	vshrl.u32 v3, $0x3  }
0xbb: {  	v4 =	vmul.u32 $0x30, v4  }
0xbc: {  	v3 =	vand.u32 $0x7, v3  }
0xbd: {  	v3 =	vor.u32 v3, v4  }
0xbe: {  	v4 =	vperm.xlane v3, v0;
	_ =	sdelay $0x1  }
0xbf: {  	v4 =	vadd.s32 v1, v4;
	_ =	sdelay $0x3  }
0xc0: {  	v3 =	vperm.xlane v3, v2  }
0xc1: {  	[tilespmem:s13], [sflag:$0x1] =	stream.indirect_vreg.gather [hbm4b:s2+s3], $0x80, v4, vm0, $0xb8;
	[tilespmem:$0x19C00] =	vst v63  }
0xc2: {  	v3 =	vadd.s32 v1, v3  }
0xc3: {  	[tilespmem:s19], [sflag:$0x1] =	stream.indirect_vreg.gather [hbm4b:s5+s3], $0x80, v4, vm0, $0xb8;
	[tilespmem:$0x19C00] =	vst v63  }
0xc4: {  	s18 =	simm.s32 $0x2C00  }
0xc5: {  	[tilespmem:s18], [sflag:$0x1] =	stream.indirect_vreg.gather [hbm4b:s6+s3], $0x80, v4, vm0, $0xb8;
	[tilespmem:$0x19C00] =	vst v63  }
0xc6: {  	s19 =	simm.s32 $0x3400  }
0xc7: {  	[tilespmem:s19], [sflag:$0x1] =	stream.indirect_vreg.gather [hbm4b:s2+s3], $0x80, v3, vm0, $0xb8;
	[tilespmem:$0x19C00] =	vst v63  }
0xc8: {  	s10 =	simm.s32 $0x3C00  }
0xc9: {  	[tilespmem:s10], [sflag:$0x1] =	stream.indirect_vreg.gather [hbm4b:s5+s3], $0x80, v3, vm0, $0xb8;
	[tilespmem:$0x19C00] =	vst v63  }
0xca: {  	s19 =	simm.s32 $0x4400  }
0xcb: {  	[tilespmem:s19], [sflag:$0x1] =	stream.indirect_vreg.gather [hbm4b:s6+s3], $0x80, v3, vm0, $0xb8;
	[tilespmem:$0x19C00] =	vst v63  }
0xcc: {  	v3 =	vld [tilespmem:s17+$0xFFFFFFA0];
	_ =	sdelay $0x4  }
0xcd: {  	v57 =	vshrl.u32 v3, $0x3  }
0xce: {  	v4 =	vmul.u32 $0x30, v57  }
0xcf: {  	v3 =	vand.u32 $0x7, v3  }
0xd0: {  	v3 =	vor.u32 v3, v4  }
0xd1: {  	v4 =	vperm.xlane v3, v0;
	_ =	sdelay $0x1  }
0xd2: {  	v4 =	vadd.s32 v1, v4;
	_ =	sdelay $0x3  }
0xd3: {  	s10 =	simm.s32 $0x4C00;
	v3 =	vperm.xlane v3, v2  }
0xd4: {  	[tilespmem:s10], [sflag:$0x1] =	stream.indirect_vreg.gather [hbm4b:s2+s3], $0x80, v4, vm0, $0xb8;
	[tilespmem:$0x19C00] =	vst v63  }
0xd5: {  	s19 =	simm.s32 $0x5400;
	v3 =	vadd.s32 v1, v3  }
0xd6: {  	[tilespmem:s19], [sflag:$0x1] =	stream.indirect_vreg.gather [hbm4b:s5+s3], $0x80, v4, vm0, $0xb8;
	[tilespmem:$0x19C00] =	vst v63  }
0xd7: {  	s10 =	simm.s32 $0x5C00  }
0xd8: {  	[tilespmem:s10], [sflag:$0x1] =	stream.indirect_vreg.gather [hbm4b:s6+s3], $0x80, v4, vm0, $0xb8;
	[tilespmem:$0x19C00] =	vst v63  }
0xd9: {  	s19 =	simm.s32 $0x6400  }
0xda: {  	[tilespmem:s19], [sflag:$0x1] =	stream.indirect_vreg.gather [hbm4b:s2+s3], $0x80, v3, vm0, $0xb8;
	[tilespmem:$0x19C00] =	vst v63  }
0xdb: {  	s10 =	simm.s32 $0x6C00  }
0xdc: {  	[tilespmem:s10], [sflag:$0x1] =	stream.indirect_vreg.gather [hbm4b:s5+s3], $0x80, v3, vm0, $0xb8;
	[tilespmem:$0x19C00] =	vst v63  }
0xdd: {  	s19 =	simm.s32 $0x7400  }
0xde: {  	[tilespmem:s19], [sflag:$0x1] =	stream.indirect_vreg.gather [hbm4b:s6+s3], $0x80, v3, vm0, $0xb8;
	[tilespmem:$0x19C00] =	vst v63  }
0xdf: {  	v3 =	vld [tilespmem:s17+$0xFFFFFFB0];
	_ =	sdelay $0x4  }
0xe0: {  	v58 =	vshrl.u32 v3, $0x3  }
0xe1: {  	v4 =	vmul.u32 $0x30, v58  }
0xe2: {  	v3 =	vand.u32 $0x7, v3  }
0xe3: {  	v3 =	vor.u32 v3, v4  }
0xe4: {  	v4 =	vperm.xlane v3, v0;
	_ =	sdelay $0x1  }
0xe5: {  	v4 =	vadd.s32 v1, v4;
	_ =	sdelay $0x3  }
0xe6: {  	s10 =	simm.s32 $0x7C00;
	v3 =	vperm.xlane v3, v2  }
0xe7: {  	[tilespmem:s10], [sflag:$0x1] =	stream.indirect_vreg.gather [hbm4b:s2+s3], $0x80, v4, vm0, $0xb8;
	[tilespmem:$0x19C00] =	vst v63  }
0xe8: {  	s19 =	simm.s32 $0x8400;
	v3 =	vadd.s32 v1, v3  }
0xe9: {  	[tilespmem:s19], [sflag:$0x1] =	stream.indirect_vreg.gather [hbm4b:s5+s3], $0x80, v4, vm0, $0xb8;
	[tilespmem:$0x19C00] =	vst v63  }
0xea: {  	s10 =	simm.s32 $0x8C00  }
0xeb: {  	[tilespmem:s10], [sflag:$0x1] =	stream.indirect_vreg.gather [hbm4b:s6+s3], $0x80, v4, vm0, $0xb8;
	[tilespmem:$0x19C00] =	vst v63  }
0xec: {  	s19 =	simm.s32 $0x9400  }
0xed: {  	[tilespmem:s19], [sflag:$0x1] =	stream.indirect_vreg.gather [hbm4b:s2+s3], $0x80, v3, vm0, $0xb8;
	[tilespmem:$0x19C00] =	vst v63  }
0xee: {  	s10 =	simm.s32 $0x9C00  }
0xef: {  	[tilespmem:s10], [sflag:$0x1] =	stream.indirect_vreg.gather [hbm4b:s5+s3], $0x80, v3, vm0, $0xb8;
	[tilespmem:$0x19C00] =	vst v63  }
0xf0: {  	s19 =	simm.s32 $0xA400  }
0xf1: {  	[tilespmem:s19], [sflag:$0x1] =	stream.indirect_vreg.gather [hbm4b:s6+s3], $0x80, v3, vm0, $0xb8;
	[tilespmem:$0x19C00] =	vst v63  }
0xf2: {  	v3 =	vld [tilespmem:s17+$0xFFFFFFC0];
	_ =	sdelay $0x4  }
0xf3: {  	v59 =	vshrl.u32 v3, $0x3  }
0xf4: {  	v4 =	vmul.u32 $0x30, v59  }
0xf5: {  	v3 =	vand.u32 $0x7, v3  }
0xf6: {  	v3 =	vor.u32 v3, v4  }
0xf7: {  	v4 =	vperm.xlane v3, v0;
	_ =	sdelay $0x1  }
0xf8: {  	v4 =	vadd.s32 v1, v4;
	_ =	sdelay $0x3  }
0xf9: {  	s10 =	simm.s32 $0xAC00;
	v3 =	vperm.xlane v3, v2  }
0xfa: {  	[tilespmem:s10], [sflag:$0x1] =	stream.indirect_vreg.gather [hbm4b:s2+s3], $0x80, v4, vm0, $0xb8;
	[tilespmem:$0x19C00] =	vst v63  }
0xfb: {  	s19 =	simm.s32 $0xB400;
	v3 =	vadd.s32 v1, v3  }
0xfc: {  	[tilespmem:s19], [sflag:$0x1] =	stream.indirect_vreg.gather [hbm4b:s5+s3], $0x80, v4, vm0, $0xb8;
	[tilespmem:$0x19C00] =	vst v63  }
0xfd: {  	s10 =	simm.s32 $0xBC00  }
0xfe: {  	[tilespmem:s10], [sflag:$0x1] =	stream.indirect_vreg.gather [hbm4b:s6+s3], $0x80, v4, vm0, $0xb8;
	[tilespmem:$0x19C00] =	vst v63  }
0xff: {  	s19 =	simm.s32 $0xC400  }
0x100: {  	[tilespmem:s19], [sflag:$0x1] =	stream.indirect_vreg.gather [hbm4b:s2+s3], $0x80, v3, vm0, $0xb8;
	[tilespmem:$0x19C00] =	vst v63  }
0x101: {  	s10 =	simm.s32 $0xCC00  }
0x102: {  	[tilespmem:s10], [sflag:$0x1] =	stream.indirect_vreg.gather [hbm4b:s5+s3], $0x80, v3, vm0, $0xb8;
	[tilespmem:$0x19C00] =	vst v63  }
0x103: {  	s19 =	simm.s32 $0xD400  }
0x104: {  	[tilespmem:s19], [sflag:$0x1] =	stream.indirect_vreg.gather [hbm4b:s6+s3], $0x80, v3, vm0, $0xb8;
	[tilespmem:$0x19C00] =	vst v63  }
0x105: {  	_ =	swait.ge [sflag:s14], $0xC000  }
0x106: {  	s18 =	sadd.s32 s16, s7;
	[sflag:s14] =	ssyncset.done $0x0  }
0x107: {  	s10 =	sadd.s32 $0x1261800, s18;
	[sflag:s14] =	ssyncadd.s32 $0xFFFF4000  }
0x108: {  	[hbm4b:s10+s3] =	stream.linear.scatter [tilespmem:s9], [sflag:$0x4], $0xC000, $0x38;
	[tilespmem:$0x19C00] =	vst v63  }
0x109: {  	_ =	swait.ge [sflag:s15], $0xC000  }
0x10a: {  	[sflag:s15] =	ssyncset.done $0x0  }
0x10b: {  	[sflag:s15] =	ssyncadd.s32 $0xFFFF4000  }
0x10c: {  	v3 =	vld [tilespmem:s17+$0xFFFFFFD0];
	_ =	sdelay $0x4  }
0x10d: {  	v60 =	vshrl.u32 v3, $0x3  }
0x10e: {  	v4 =	vmul.u32 $0x30, v60  }
0x10f: {  	v3 =	vand.u32 $0x7, v3  }
0x110: {  	v3 =	vor.u32 v3, v4  }
0x111: {  	v4 =	vperm.xlane v3, v0;
	_ =	sdelay $0x1  }
0x112: {  	v4 =	vadd.s32 v1, v4;
	_ =	sdelay $0x3  }
0x113: {  	v3 =	vperm.xlane v3, v2  }
0x114: {  	[tilespmem:s9], [sflag:$0x2] =	stream.indirect_vreg.gather [hbm4b:s2+s3], $0x80, v4, vm0, $0xb8;
	[tilespmem:$0x19C00] =	vst v63  }
0x115: {  	s10 =	simm.s32 $0xE400;
	v3 =	vadd.s32 v1, v3  }
0x116: {  	[tilespmem:s10], [sflag:$0x2] =	stream.indirect_vreg.gather [hbm4b:s5+s3], $0x80, v4, vm0, $0xb8;
	[tilespmem:$0x19C00] =	vst v63  }
0x117: {  	s10 =	simm.s32 $0xEC00  }
0x118: {  	[tilespmem:s10], [sflag:$0x2] =	stream.indirect_vreg.gather [hbm4b:s6+s3], $0x80, v4, vm0, $0xb8;
	[tilespmem:$0x19C00] =	vst v63  }
0x119: {  	s10 =	simm.s32 $0xF400  }
0x11a: {  	[tilespmem:s10], [sflag:$0x2] =	stream.indirect_vreg.gather [hbm4b:s2+s3], $0x80, v3, vm0, $0xb8;
	[tilespmem:$0x19C00] =	vst v63  }
0x11b: {  	s10 =	simm.s32 $0xFC00  }
0x11c: {  	[tilespmem:s10], [sflag:$0x2] =	stream.indirect_vreg.gather [hbm4b:s5+s3], $0x80, v3, vm0, $0xb8;
	[tilespmem:$0x19C00] =	vst v63  }
0x11d: {  	s10 =	simm.s32 $0x10400  }
0x11e: {  	[tilespmem:s10], [sflag:$0x2] =	stream.indirect_vreg.gather [hbm4b:s6+s3], $0x80, v3, vm0, $0xb8;
	[tilespmem:$0x19C00] =	vst v63  }
0x11f: {  	v3 =	vld [tilespmem:s17+$0xFFFFFFE0];
	_ =	sdelay $0x4  }
0x120: {  	v61 =	vshrl.u32 v3, $0x3  }
0x121: {  	v4 =	vmul.u32 $0x30, v61  }
0x122: {  	v3 =	vand.u32 $0x7, v3  }
0x123: {  	v3 =	vor.u32 v3, v4  }
0x124: {  	v4 =	vperm.xlane v3, v0;
	_ =	sdelay $0x1  }
0x125: {  	v4 =	vadd.s32 v1, v4;
	_ =	sdelay $0x3  }
0x126: {  	s10 =	simm.s32 $0x10C00;
	v3 =	vperm.xlane v3, v2  }
0x127: {  	[tilespmem:s10], [sflag:$0x2] =	stream.indirect_vreg.gather [hbm4b:s2+s3], $0x80, v4, vm0, $0xb8;
	[tilespmem:$0x19C00] =	vst v63  }
0x128: {  	v3 =	vadd.s32 v1, v3;
	s10 =	simm.s32 $0x11400  }
0x129: {  	[tilespmem:s10], [sflag:$0x2] =	stream.indirect_vreg.gather [hbm4b:s5+s3], $0x80, v4, vm0, $0xb8;
	[tilespmem:$0x19C00] =	vst v63  }
0x12a: {  	s10 =	simm.s32 $0x11C00  }
0x12b: {  	[tilespmem:s10], [sflag:$0x2] =	stream.indirect_vreg.gather [hbm4b:s6+s3], $0x80, v4, vm0, $0xb8;
	[tilespmem:$0x19C00] =	vst v63  }
0x12c: {  	_ = 	snop  }
0x12d: {  	[tilespmem:s11], [sflag:$0x2] =	stream.indirect_vreg.gather [hbm4b:s2+s3], $0x80, v3, vm0, $0xb8;
	[tilespmem:$0x19C00] =	vst v63  }
0x12e: {  	_ = 	snop  }
0x12f: {  	[tilespmem:s4], [sflag:$0x2] =	stream.indirect_vreg.gather [hbm4b:s5+s3], $0x80, v3, vm0, $0xb8;
	[tilespmem:$0x19C00] =	vst v63  }
0x130: {  	_ = 	snop  }
0x131: {  	[tilespmem:s20], [sflag:$0x2] =	stream.indirect_vreg.gather [hbm4b:s6+s3], $0x80, v3, vm0, $0xb8;
	[tilespmem:$0x19C00] =	vst v63  }
0x132: {  	v3 =	vld [tilespmem:s17+$0xFFFFFFF0];
	_ =	sdelay $0x4  }
0x133: {  	v62 =	vshrl.u32 v3, $0x3  }
0x134: {  	v4 =	vmul.u32 $0x30, v62  }
0x135: {  	v3 =	vand.u32 $0x7, v3  }
0x136: {  	v3 =	vor.u32 v3, v4  }
0x137: {  	v4 =	vperm.xlane v3, v0;
	_ =	sdelay $0x1  }
0x138: {  	v4 =	vadd.s32 v1, v4;
	_ =	sdelay $0x3  }
0x139: {  	v3 =	vperm.xlane v3, v2  }
0x13a: {  	[tilespmem:s21], [sflag:$0x2] =	stream.indirect_vreg.gather [hbm4b:s2+s3], $0x80, v4, vm0, $0xb8;
	[tilespmem:$0x19C00] =	vst v63  }
0x13b: {  	v3 =	vadd.s32 v1, v3  }
0x13c: {  	[tilespmem:s22], [sflag:$0x2] =	stream.indirect_vreg.gather [hbm4b:s5+s3], $0x80, v4, vm0, $0xb8;
	[tilespmem:$0x19C00] =	vst v63  }
0x13d: {  	_ = 	snop  }
0x13e: {  	[tilespmem:s23], [sflag:$0x2] =	stream.indirect_vreg.gather [hbm4b:s6+s3], $0x80, v4, vm0, $0xb8;
	[tilespmem:$0x19C00] =	vst v63  }
0x13f: {  	_ = 	snop  }
0x140: {  	[tilespmem:s24], [sflag:$0x2] =	stream.indirect_vreg.gather [hbm4b:s2+s3], $0x80, v3, vm0, $0xb8;
	[tilespmem:$0x19C00] =	vst v63  }
0x141: {  	_ = 	snop  }
0x142: {  	[tilespmem:s25], [sflag:$0x2] =	stream.indirect_vreg.gather [hbm4b:s5+s3], $0x80, v3, vm0, $0xb8;
	[tilespmem:$0x19C00] =	vst v63  }
0x143: {  	_ = 	snop  }
0x144: {  	[tilespmem:s26], [sflag:$0x2] =	stream.indirect_vreg.gather [hbm4b:s6+s3], $0x80, v3, vm0, $0xb8;
	[tilespmem:$0x19C00] =	vst v63  }
0x145: {  	v3 =	vld [tilespmem:s17+$0x0];
	_ =	sdelay $0x4  }
0x146: {  	v63 =	vshrl.u32 v3, $0x3  }
0x147: {  	v4 =	vmul.u32 $0x30, v63  }
0x148: {  	v3 =	vand.u32 $0x7, v3  }
0x149: {  	v3 =	vor.u32 v3, v4  }
0x14a: {  	v4 =	vperm.xlane v3, v0;
	_ =	sdelay $0x1  }
0x14b: {  	v4 =	vadd.s32 v1, v4;
	_ =	sdelay $0x3  }
0x14c: {  	v3 =	vperm.xlane v3, v2  }
0x14d: {  	[tilespmem:s28], [sflag:$0x2] =	stream.indirect_vreg.gather [hbm4b:s2+s3], $0x80, v4, vm0, $0xb8;
	[tilespmem:$0x19C00] =	vst v63  }
0x14e: {  	v3 =	vadd.s32 v1, v3  }
0x14f: {  	[tilespmem:s29], [sflag:$0x2] =	stream.indirect_vreg.gather [hbm4b:s5+s3], $0x80, v4, vm0, $0xb8;
	[tilespmem:$0x19C00] =	vst v63  }
0x150: {  	_ = 	snop  }
0x151: {  	[tilespmem:s30], [sflag:$0x2] =	stream.indirect_vreg.gather [hbm4b:s6+s3], $0x80, v4, vm0, $0xb8;
	[tilespmem:$0x19C00] =	vst v63  }
0x152: {  	_ = 	snop  }
0x153: {  	[tilespmem:s31], [sflag:$0x2] =	stream.indirect_vreg.gather [hbm4b:s2+s3], $0x80, v3, vm0, $0xb8;
	[tilespmem:$0x19C00] =	vst v63  }
0x154: {  	_ = 	snop  }
0x155: {  	[tilespmem:s1], [sflag:$0x2] =	stream.indirect_vreg.gather [hbm4b:s5+s3], $0x80, v3, vm0, $0xb8;
	[tilespmem:$0x19C00] =	vst v63  }
0x156: {  	p0 =	sne.s32 s16, $0xFFFA0000  }
0x157: {  	[tilespmem:s0], [sflag:$0x2] =	stream.indirect_vreg.gather [hbm4b:s6+s3], $0x80, v3, vm0, $0xb8;
	[tilespmem:$0x19C00] =	vst v63  }
.Ltmp0:
0x158: {  	_ = 	snop;
	(pc) =	sbr.rel @p0 .LBB2_2-.Ltmp0, $4  }
0x159: {  	_ =	swait.ge [sflag:s8], $0xC000  }
0x15a: {  	s16 =	sadd.s32 $0x60000, s16;
	s18 =	sadd.s32 $0x12C0000, s18;
	[sflag:s8] =	ssyncset.done $0x0  }
0x15b: {  	s19 =	simm.s32 $0x2400;
	s17 =	sadd.s32 $0x80, s17;
	[sflag:s8] =	ssyncadd.s32 $0xFFFF4000  }
0x15c: {  	[hbm4b:s18+s3] =	stream.linear.scatter [tilespmem:s13], [sflag:$0x3], $0xC000, $0x38;
	[tilespmem:$0x19C00] =	vst v63  }
0x15d: {  	_ =	swait.ge [sflag:s12], $0xC000  }
0x15e: {  	[sflag:s12] =	ssyncset.done $0x0  }
0x15f: {  	[sflag:s12] =	ssyncadd.s32 $0xFFFF4000  }
0x160: {  	_ =	swait.ge [sflag:s14], $0xC000  }
0x161: {  	[sflag:s14] =	ssyncset.done $0x0  }
0x162: {  	s16 =	rddreg [dreg:$0x5];
	[sflag:s14] =	ssyncadd.s32 $0xFFFF4000  }
0x163: {  	[hbm4b:s16+s3] =	stream.linear.scatter [tilespmem:s9], [sflag:$0x4], $0xC000, $0x38;
	[tilespmem:$0x19C00] =	vst v63  }
0x164: {  	_ =	swait.ge [sflag:s15], $0xC000  }
0x165: {  	s0 =	rddreg [dreg:$0x7]  }
0x166: {  	s18 =	rddreg [dreg:$0x6];
	s0 =	sadd.s32 $0x1, s0  }
0x167: {  	p0 =	sne.s32 s0, s18  }
.Ltmp1:
0x168: {  	_ = 	snop;
	(pc) =	sbr.rel @p0 .LBB2_1-.Ltmp1, $3  }
0x169: {  	_ =	sdelay $0x1  }
0x16a: {  	[sflag:s15] =	ssyncset.done $0x0  }
0x16b: {  	[sflag:s15] =	ssyncadd.s32 $0xFFFF4000  }
0x16c: {  	_ =	sfence.sel $0x180000  }
0x16d: {  	[bflag:$0x0] =	sbarrier.arrive $0xFFFF  }
0x16e: {  	_ =	strace $0x90000047  }
0x16f: {  	s0 =	stileid.u32;
	[bflag:$0x2] =	sbarrier.arrive $0xFFFF  }
0x170: {  	p0 =	sne.s32 s0, $0x0;
	s0 =	rddreg [dreg:$0x3]  }
0x171: {  	s0 =	sadd.s32 @!p0 $0x100000, s0  }
0x172: {  	[sflag:s0] =	ssyncadd.tile.s32 @!p0 $0x1;
	_ =	shalt  }
.Lfunc_end2:
_tile_overlayer_lowered:
.L_overlay_start_2:
0x173: {  	(tag) =	ssettag $0x2  }
0x174: {  	s0 =	rddreg [dreg:$0x0];
	s2 =	stileid.u32  }
0x175: {  	s1 =	rddreg [dreg:$0x1];
	p0 =	sne.s32 s2, $0x0  }
0x176: {  	s3 =	rddreg [dreg:$0x2];
	[bflag:$0x3] =	sbarrier.arrive $0xFFFF;
	s2 =	simm.s32 @!p0 $0x1C05  }
0x177: {  	[timem:s3], [sflag:s2] =	dma.local @!p0 [hbm:s0], s1  }
0x178: {  	s0 =	simm.s32 @!p0 $0x5  }
0x179: {  	_ =	swait.ge @!p0 [sflag:s0], s1  }
0x17a: {  	s1 =	ssub.s32 @!p0 $0x0, s1;
	[sflag:s0] =	ssyncset.done @!p0 $0x0  }
0x17b: {  	[sflag:s0] =	ssyncadd.s32 @!p0 s1  }
0x17c: {  	[bflag:$0x3] =	sbarrier.arrive $0xFFFF  }
0x17d: {  	_ =	shalt  }

</sc_bundles>
